<compile_context>
chip_gen: v7x
topology: tpu7x:2x2x1
jax: 0.10.2.dev20260603
libtpu: 0.0.44.dev20260713+nightly
codegen_flags: <defaults>
</compile_context>

<pallas_src>
import functools

import jax
import jax.numpy as jnp
from jax import lax
from jax.experimental import pallas as pl
from jax.experimental.pallas import tpu as pltpu
from jax.experimental.pallas import tpu_sc as plsc

N = 10000
E = 320000
D = 128
NW = 32
EPT = E // NW
CH = 80
NCH = EPT // CH
CHA = 80
NCHA = EPT // CHA
NP_ = 10240
RPT = NP_ // 16
ZR = 128

_mesh = plsc.VectorSubcoreMesh(core_axis_name="c", subcore_axis_name="s")
_sc_params = pltpu.CompilerParams(needs_layout_passes=False)


def _zero_1d(ref, n):
    z = jnp.zeros((16,), jnp.float32)

    def body(i, _):
        ref[pl.ds(i * 16, 16)] = z
        return 0

    lax.fori_loop(0, n // 16, body, 0)


def _zero_2d(ref, rows):
    z = jnp.zeros((16,), jnp.float32)

    def body(i, _):
        for k in range(D // 16):
            ref[i, pl.ds(k * 16, 16)] = z
        return 0

    lax.fori_loop(0, rows, body, 0)


@functools.partial(
    pl.kernel,
    out_type=jax.ShapeDtypeStruct((NW, 1, N), jnp.float32),
    mesh=_mesh,
    compiler_params=_sc_params,
    scratch_types=[
        pltpu.VMEM((NCH, CH), jnp.int32),
        pltpu.VMEM((N,), jnp.float32),
    ],
)
def _sc_deg(dst_hbm, out_hbm, dst_v, deg_v):
    wid = lax.axis_index("s") * 2 + lax.axis_index("c")
    pltpu.sync_copy(dst_hbm.at[wid], dst_v)
    _zero_1d(deg_v, N)
    ones = jnp.ones((16,), jnp.float32)

    def body(j, _):
        for k in range(CH // 16):
            idx = dst_v[j, pl.ds(k * 16, 16)]
            plsc.addupdate_scatter(deg_v, [idx], ones)
        return 0

    lax.fori_loop(0, NCH, body, 0)
    pltpu.sync_copy(deg_v, out_hbm.at[wid, 0])


@functools.partial(
    pl.kernel,
    out_type=jax.ShapeDtypeStruct((NW, 1, N), jnp.float32),
    mesh=_mesh,
    compiler_params=_sc_params,
    scratch_types=[
        pltpu.VMEM((NCH, CH), jnp.int32),
        pltpu.VMEM((NCH, CH), jnp.int32),
        pltpu.VMEM((N,), jnp.float32),
        pltpu.VMEM((N,), jnp.float32),
    ],
)
def _sc_sacc(src_hbm, dst_hbm, dinv_hbm, s_out, src_v, dst_v, dinv_v, sacc_v):
    wid = lax.axis_index("s") * 2 + lax.axis_index("c")
    pltpu.sync_copy(src_hbm.at[wid], src_v)
    pltpu.sync_copy(dst_hbm.at[wid], dst_v)
    pltpu.sync_copy(dinv_hbm, dinv_v)
    _zero_1d(sacc_v, N)

    def sbody(j, _):
        for k in range(CH // 16):
            d16 = dst_v[j, pl.ds(k * 16, 16)]
            s16 = src_v[j, pl.ds(k * 16, 16)]
            vals = plsc.load_gather(dinv_v, [d16])
            plsc.addupdate_scatter(sacc_v, [s16], vals)
        return 0

    lax.fori_loop(0, NCH, sbody, 0)
    pltpu.sync_copy(sacc_v, s_out.at[wid, 0])


@functools.partial(
    pl.kernel,
    out_type=jax.ShapeDtypeStruct((2, NP_, D), jnp.float32),
    mesh=_mesh,
    compiler_params=_sc_params,
    scratch_types=[
        pltpu.VMEM((EPT,), jnp.int32),
        pltpu.VMEM((NCHA, CHA), jnp.int32),
        pltpu.VMEM((CHA, D), jnp.float32),
        pltpu.VMEM((CHA, D), jnp.float32),
        pltpu.VMEM_SHARED((NP_, D), jnp.float32),
        pltpu.SemaphoreType.DMA,
        pltpu.SemaphoreType.DMA,
    ],
)
def _sc_agg(src_hbm, dst_hbm, g_hbm, agg_out,
            src_v, dst_v, rows0_v, rows1_v, agg_sh, sem0, sem1):
    cid = lax.axis_index("c")
    sid = lax.axis_index("s")
    wid = sid * 2 + cid
    pltpu.sync_copy(src_hbm.at[wid], src_v)
    pltpu.sync_copy(dst_hbm.at[wid], dst_v)
    _zero_2d(rows0_v, CHA)
    base = sid * RPT
    for t in range(RPT // CHA):
        pltpu.sync_copy(rows0_v, agg_sh.at[pl.ds(base + t * CHA, CHA)])
    plsc.subcore_barrier()

    def sidx(j):
        return src_v.at[pl.ds(j * CHA, CHA)]

    def gbody(i, _):
        j = 2 * i
        cp0 = pltpu.async_copy(g_hbm.at[sidx(j)], rows0_v, sem0)
        cp1 = pltpu.async_copy(g_hbm.at[sidx(j + 1)], rows1_v, sem1)
        cp0.wait()
        pltpu.sync_copy(rows0_v, agg_sh.at[dst_v.at[j]], add=True)
        cp1.wait()
        pltpu.sync_copy(rows1_v, agg_sh.at[dst_v.at[j + 1]], add=True)
        return 0

    lax.fori_loop(0, NCHA // 2, gbody, 0)
    cp = pltpu.async_copy(g_hbm.at[sidx(NCHA - 1)], rows0_v, sem0)
    cp.wait()
    pltpu.sync_copy(rows0_v, agg_sh.at[dst_v.at[NCHA - 1]], add=True)
    plsc.subcore_barrier()
    for t in range(RPT // 160):
        r0 = base + t * 160
        pltpu.sync_copy(agg_sh.at[pl.ds(r0, 160)], agg_out.at[cid, pl.ds(r0, 160)])


def _tc_prep_body(parts_ref, x_ref, w_ref, dinv_ref, g_ref):
    deg = jnp.sum(parts_ref[...], axis=0, keepdims=True) + 1.0
    dinv = lax.rsqrt(jnp.maximum(deg, 1.0))
    dinv_ref[...] = dinv
    h = jnp.dot(x_ref[...], w_ref[...], preferred_element_type=jnp.float32)
    g_ref[...] = h * jnp.transpose(dinv)


def _tc_fin_body(agg0_ref, agg1_ref, s_ref, g_ref, dinv_ref, b1_ref,
                 w2_ref, b2_ref, wc_ref, bc_ref, hoth_ref, out_ref):
    dinv = dinv_ref[...]
    sacc = jnp.sum(s_ref[...], axis=0, keepdims=True)
    c = dinv * (dinv + sacc)
    aggraw = agg0_ref[...] + agg1_ref[...] + g_ref[...]
    h1 = jnp.maximum(jnp.transpose(dinv) * aggraw + b1_ref[...], 0.0)
    v = jnp.dot(c, h1, preferred_element_type=jnp.float32)
    mean = jnp.dot(v * (1.0 / N), w2_ref[...],
                   preferred_element_type=jnp.float32) + b2_ref[...]
    z = jnp.concatenate([mean, hoth_ref[...]], axis=1)
    out_ref[...] = jnp.dot(z, wc_ref[...],
                           preferred_element_type=jnp.float32) + bc_ref[...]


def kernel(x, edge_index, W1, b1, W2, b2, Wc, bc, h_other):
    src = edge_index[0].astype(jnp.int32).reshape(NW, NCH, CH)
    dst = edge_index[1].astype(jnp.int32).reshape(NW, NCH, CH)

    deg_parts = _sc_deg(dst)

    dinv, g = pl.pallas_call(
        _tc_prep_body,
        out_shape=[
            jax.ShapeDtypeStruct((1, N), jnp.float32),
            jax.ShapeDtypeStruct((N, D), jnp.float32),
        ],
    )(deg_parts.reshape(NW, N), x, W1)

    s_parts = _sc_sacc(src, dst, dinv.reshape(N)).reshape(NW, N)
    srca = edge_index[0].astype(jnp.int32).reshape(NW, EPT)
    dsta = edge_index[1].astype(jnp.int32).reshape(NW, NCHA, CHA)
    agg_parts = _sc_agg(srca, dsta, g)[:, :N, :]

    logits = pl.pallas_call(
        _tc_fin_body,
        out_shape=jax.ShapeDtypeStruct((1, 3), jnp.float32),
    )(agg_parts[0], agg_parts[1], s_parts, g, dinv,
      b1.reshape(1, D), W2, b2.reshape(1, D), Wc, bc.reshape(1, 3), h_other)
    return logits

# --- scband reference (transcript-rebuilt; emitter-appended) ---
"""Pipeline reference for scband-single-graph-wrapper-71305047048704 (READ-ONLY COPY).

The authoritative reference and input builder live on the scoring server;
editing this copy changes nothing except your own understanding.
"""

import jax, jax.numpy as jnp
import numpy as np

N_NODES = 10000
N_EDGES = 320000
D_FEAT = 128
D_HID = 128
N_CLASSES = 3


def setup_inputs(seed: int = 0) -> dict:
    key = jax.random.key(seed)
    ks = jax.random.split(key, 9)
    x = jax.random.normal(ks[0], (N_NODES, D_FEAT), dtype=jnp.float32)
    edge_index = jax.random.randint(ks[1], (2, N_EDGES), 0, N_NODES, dtype=jnp.int64)
    # encoder params (2-layer GCN)
    W1 = jax.random.normal(ks[2], (D_FEAT, D_HID), dtype=jnp.float32) * (1.0 / np.sqrt(D_FEAT))
    b1 = jnp.zeros((D_HID,), dtype=jnp.float32)
    W2 = jax.random.normal(ks[3], (D_HID, D_HID), dtype=jnp.float32) * (1.0 / np.sqrt(D_HID))
    b2 = jnp.zeros((D_HID,), dtype=jnp.float32)
    # fixed pooled embedding of the other (non-explained) graph, precomputed at init
    h_other = jax.random.normal(ks[4], (1, D_HID), dtype=jnp.float32)
    # classifier params over concatenated [h_this, h_other]
    Wc = jax.random.normal(ks[5], (2 * D_HID, N_CLASSES), dtype=jnp.float32) * (1.0 / np.sqrt(2 * D_HID))
    bc = jnp.zeros((N_CLASSES,), dtype=jnp.float32)
    return {"x": x, "edge_index": edge_index, "W1": W1, "b1": b1, "W2": W2, "b2": b2, "Wc": Wc, "bc": bc, "h_other": h_other}


def _gcn_conv(x, edge_index, W, b):
    # GCNConv: x' = D^{-1/2} (A + I) D^{-1/2} (x W) + b
    n = x.shape[0]
    h = x @ W
    loop = jnp.arange(n, dtype=edge_index.dtype)
    src = jnp.concatenate([edge_index[0], loop])
    dst = jnp.concatenate([edge_index[1], loop])
    deg = jnp.zeros((n,), dtype=h.dtype).at[dst].add(1.0)
    dinv = jax.lax.rsqrt(jnp.maximum(deg, 1.0))
    norm = dinv[src] * dinv[dst]
    msg = h[src] * norm[:, None]
    agg = jnp.zeros((n, h.shape[1]), dtype=h.dtype).at[dst].add(msg)
    return agg + b


def reference(x, edge_index, W1, b1, W2, b2, Wc, bc, h_other):
    # encoder
    h = jax.nn.relu(_gcn_conv(x, edge_index, W1, b1))
    h = _gcn_conv(h, edge_index, W2, b2)
    # batch is all-zeros -> global mean pool over a single graph
    h_this = jnp.mean(h, axis=0, keepdims=True)
    # side == 'home': explained graph occupies the left half
    z = jnp.concatenate([h_this, h_other], axis=1)
    logits = z @ Wc + bc
    return logits

if __name__ == "__main__":
    import jax
    _d = setup_inputs()
    print(jax.jit(kernel)(*tuple(_d.values())))

</pallas_src>

<mosaic_0001>
#map = affine_map<(d0, d1) -> (0, 0, 0)>
module attributes {stable_mosaic.version = 14 : i64} {
  func.func @_sc_deg(%arg0: i32, %arg1: i32, %arg2: memref<32x125x80xi32, #tpu.memory_space<hbm>>, %arg3: memref<32x1x10000xf32, #tpu.memory_space<hbm>>, %arg4: memref<125x80xi32, #tpu.memory_space<vmem>>, %arg5: memref<10000xf32, #tpu.memory_space<vmem>>) attributes {dimension_semantics = [#tpu.dimension_semantics<core_parallel>, #tpu.dimension_semantics<subcore_parallel>], iteration_bounds = array<i64: 2, 16>, scalar_prefetch = 0 : i64, scratch_operands = 2 : i64, tpu.core_type = #tpu.core_type<sc_vector_subcore>, window_params = [{transform_indices = #map}, {transform_indices = #map}]} {
    %mul3A = arith.constant 2 : i32
    %mul3A_0 = arith.muli %arg1, %mul3A : i32
    %add3A = arith.addi %mul3A_0, %arg0 : i32
    "tpu.region"() ({
      %run_scoped3A_17 = tpu.sem_alloc : memref<!tpu.dma_semaphore, #tpu.memory_space<semaphore_mem>>
      %dma_start3A = arith.constant 0 : i32
      %dma_start3A_18 = arith.constant 0 : i32
      %dma_start3A_19 = tpu.memref_slice %arg2[%add3A, %dma_start3A, %dma_start3A_18] : memref<32x125x80xi32, #tpu.memory_space<hbm>> -> memref<1x125x80xi32, #tpu.memory_space<hbm>>
      %dma_start3A_20 = tpu.memref_squeeze %dma_start3A_19 : memref<1x125x80xi32, #tpu.memory_space<hbm>> -> memref<125x80xi32, #tpu.memory_space<hbm>>
      %dma_start3A_21 = arith.constant 0 : i32
      %dma_start3A_22 = arith.constant 0 : i32
      %dma_start3A_23 = tpu.memref_slice %arg2[%add3A, %dma_start3A_21, %dma_start3A_22] : memref<32x125x80xi32, #tpu.memory_space<hbm>> -> memref<1x125x80xi32, #tpu.memory_space<hbm>>
      %dma_start3A_24 = tpu.memref_squeeze %dma_start3A_23 : memref<1x125x80xi32, #tpu.memory_space<hbm>> -> memref<125x80xi32, #tpu.memory_space<hbm>>
      tpu.enqueue_dma source(%dma_start3A_24 : memref<125x80xi32, #tpu.memory_space<hbm>>) target(%arg4 : memref<125x80xi32, #tpu.memory_space<vmem>>) target_semaphore(%run_scoped3A_17 : memref<!tpu.dma_semaphore, #tpu.memory_space<semaphore_mem>>)
      %dma_wait3A = arith.constant 0 : i32
      %dma_wait3A_25 = arith.constant 0 : i32
      %dma_wait3A_26 = tpu.memref_slice %arg2[%add3A, %dma_wait3A, %dma_wait3A_25] : memref<32x125x80xi32, #tpu.memory_space<hbm>> -> memref<1x125x80xi32, #tpu.memory_space<hbm>>
      %dma_wait3A_27 = tpu.memref_squeeze %dma_wait3A_26 : memref<1x125x80xi32, #tpu.memory_space<hbm>> -> memref<125x80xi32, #tpu.memory_space<hbm>>
      %dma_wait3A_28 = arith.constant 0 : i32
      %dma_wait3A_29 = arith.constant 0 : i32
      %dma_wait3A_30 = tpu.memref_slice %arg2[%add3A, %dma_wait3A_28, %dma_wait3A_29] : memref<32x125x80xi32, #tpu.memory_space<hbm>> -> memref<1x125x80xi32, #tpu.memory_space<hbm>>
      %dma_wait3A_31 = tpu.memref_squeeze %dma_wait3A_30 : memref<1x125x80xi32, #tpu.memory_space<hbm>> -> memref<125x80xi32, #tpu.memory_space<hbm>>
      tpu.wait_dma2 semaphore(%run_scoped3A_17 : memref<!tpu.dma_semaphore, #tpu.memory_space<semaphore_mem>>) src(%dma_wait3A_31 : memref<125x80xi32, #tpu.memory_space<hbm>>) dst(%arg4 : memref<125x80xi32, #tpu.memory_space<vmem>>)
      tpu.yield
    }) : () -> ()
    %broadcast_in_dim3A = arith.constant 0.000000e+00 : f32
    %broadcast_in_dim3A_1 = vector.broadcast %broadcast_in_dim3A : f32 to vector<16xf32>
    %scan3A = arith.constant 0 : i32
    %scan3A_2 = arith.constant 0 : i32
    %scan3A_3 = arith.constant 625 : i32
    %scan3A_4 = arith.addi %scan3A_2, %scan3A_3 : i32
    %scan3A_5 = arith.constant 1 : i32
    %scan3A_6 = scf.for %scan3A_17 = %scan3A_2 to %scan3A_4 step %scan3A_5 iter_args(%scan3A_18 = %scan3A) -> (i32)  : i32 {
      %mul3A_19 = arith.constant 16 : i32
      %mul3A_20 = arith.muli %scan3A_17, %mul3A_19 : i32
      %swap3A = arith.index_cast %mul3A_20 : i32 to index
      %swap3A_21 = tpu.vector_load %arg5[%swap3A] {strides = array<i32>} : memref<10000xf32, #tpu.memory_space<vmem>>, vector<16xf32>,
      tpu.vector_store %arg5[%swap3A], %broadcast_in_dim3A_1 {strides = array<i32>} : memref<10000xf32, #tpu.memory_space<vmem>>, vector<16xf32>,
      %scan3A_22 = arith.constant 0 : i32
      scf.yield %scan3A_22 : i32
    }
    %scan3A_7 = arith.constant 625 : i32
    %broadcast_in_dim3A_8 = arith.constant 1.000000e+00 : f32
    %broadcast_in_dim3A_9 = vector.broadcast %broadcast_in_dim3A_8 : f32 to vector<16xf32>
    %scan3A_10 = arith.constant 0 : i32
    %scan3A_11 = arith.constant 0 : i32
    %scan3A_12 = arith.constant 125 : i32
    %scan3A_13 = arith.addi %scan3A_11, %scan3A_12 : i32
    %scan3A_14 = arith.constant 1 : i32
    %scan3A_15 = scf.for %scan3A_17 = %scan3A_11 to %scan3A_13 step %scan3A_14 iter_args(%scan3A_18 = %scan3A_10) -> (i32)  : i32 {
      %get3A = arith.index_cast %scan3A_17 : i32 to index
      %get3A_19 = arith.constant 0 : index
      %get3A_20 = tpu.vector_load %arg4[%get3A, %get3A_19] {strides = array<i32>} : memref<125x80xi32, #tpu.memory_space<vmem>>, vector<16xi32>,
      tpu.vector_store_idx %arg5[%get3A_20], %broadcast_in_dim3A_9 {add = true} : memref<10000xf32, #tpu.memory_space<vmem>>[vector<16xi32>], vector<16xf32>,
      %get3A_21 = arith.index_cast %scan3A_17 : i32 to index
      %get3A_22 = arith.constant 16 : index
      %get3A_23 = tpu.vector_load %arg4[%get3A_21, %get3A_22] {strides = array<i32>} : memref<125x80xi32, #tpu.memory_space<vmem>>, vector<16xi32>,
      tpu.vector_store_idx %arg5[%get3A_23], %broadcast_in_dim3A_9 {add = true} : memref<10000xf32, #tpu.memory_space<vmem>>[vector<16xi32>], vector<16xf32>,
      %get3A_24 = arith.index_cast %scan3A_17 : i32 to index
      %get3A_25 = arith.constant 32 : index
      %get3A_26 = tpu.vector_load %arg4[%get3A_24, %get3A_25] {strides = array<i32>} : memref<125x80xi32, #tpu.memory_space<vmem>>, vector<16xi32>,
      tpu.vector_store_idx %arg5[%get3A_26], %broadcast_in_dim3A_9 {add = true} : memref<10000xf32, #tpu.memory_space<vmem>>[vector<16xi32>], vector<16xf32>,
      %get3A_27 = arith.index_cast %scan3A_17 : i32 to index
      %get3A_28 = arith.constant 48 : index
      %get3A_29 = tpu.vector_load %arg4[%get3A_27, %get3A_28] {strides = array<i32>} : memref<125x80xi32, #tpu.memory_space<vmem>>, vector<16xi32>,
      tpu.vector_store_idx %arg5[%get3A_29], %broadcast_in_dim3A_9 {add = true} : memref<10000xf32, #tpu.memory_space<vmem>>[vector<16xi32>], vector<16xf32>,
      %get3A_30 = arith.index_cast %scan3A_17 : i32 to index
      %get3A_31 = arith.constant 64 : index
      %get3A_32 = tpu.vector_load %arg4[%get3A_30, %get3A_31] {strides = array<i32>} : memref<125x80xi32, #tpu.memory_space<vmem>>, vector<16xi32>,
      tpu.vector_store_idx %arg5[%get3A_32], %broadcast_in_dim3A_9 {add = true} : memref<10000xf32, #tpu.memory_space<vmem>>[vector<16xi32>], vector<16xf32>,
      %scan3A_33 = arith.constant 0 : i32
      scf.yield %scan3A_33 : i32
    }
    %scan3A_16 = arith.constant 125 : i32
    %run_scoped3A = arith.constant 0 : i32
    "tpu.region"() ({
      %run_scoped3A_17 = tpu.sem_alloc : memref<!tpu.dma_semaphore, #tpu.memory_space<semaphore_mem>>
      %dma_start3A = arith.constant 0 : i32
      %dma_start3A_18 = tpu.memref_slice %arg3[%add3A, %run_scoped3A, %dma_start3A] : memref<32x1x10000xf32, #tpu.memory_space<hbm>> -> memref<1x1x10000xf32, #tpu.memory_space<hbm>>
      %dma_start3A_19 = tpu.memref_squeeze %dma_start3A_18 : memref<1x1x10000xf32, #tpu.memory_space<hbm>> -> memref<10000xf32, #tpu.memory_space<hbm>>
      %dma_start3A_20 = arith.constant 0 : i32
      %dma_start3A_21 = tpu.memref_slice %arg3[%add3A, %run_scoped3A, %dma_start3A_20] : memref<32x1x10000xf32, #tpu.memory_space<hbm>> -> memref<1x1x10000xf32, #tpu.memory_space<hbm>>
      %dma_start3A_22 = tpu.memref_squeeze %dma_start3A_21 : memref<1x1x10000xf32, #tpu.memory_space<hbm>> -> memref<10000xf32, #tpu.memory_space<hbm>>
      tpu.enqueue_dma source(%arg5 : memref<10000xf32, #tpu.memory_space<vmem>>) target(%dma_start3A_22 : memref<10000xf32, #tpu.memory_space<hbm>>) target_semaphore(%run_scoped3A_17 : memref<!tpu.dma_semaphore, #tpu.memory_space<semaphore_mem>>)
      %dma_wait3A = arith.constant 0 : i32
      %dma_wait3A_23 = tpu.memref_slice %arg3[%add3A, %run_scoped3A, %dma_wait3A] : memref<32x1x10000xf32, #tpu.memory_space<hbm>> -> memref<1x1x10000xf32, #tpu.memory_space<hbm>>
      %dma_wait3A_24 = tpu.memref_squeeze %dma_wait3A_23 : memref<1x1x10000xf32, #tpu.memory_space<hbm>> -> memref<10000xf32, #tpu.memory_space<hbm>>
      %dma_wait3A_25 = arith.constant 0 : i32
      %dma_wait3A_26 = tpu.memref_slice %arg3[%add3A, %run_scoped3A, %dma_wait3A_25] : memref<32x1x10000xf32, #tpu.memory_space<hbm>> -> memref<1x1x10000xf32, #tpu.memory_space<hbm>>
      %dma_wait3A_27 = tpu.memref_squeeze %dma_wait3A_26 : memref<1x1x10000xf32, #tpu.memory_space<hbm>> -> memref<10000xf32, #tpu.memory_space<hbm>>
      tpu.wait_dma2 semaphore(%run_scoped3A_17 : memref<!tpu.dma_semaphore, #tpu.memory_space<semaphore_mem>>) src(%arg5 : memref<10000xf32, #tpu.memory_space<vmem>>) dst(%dma_wait3A_27 : memref<10000xf32, #tpu.memory_space<hbm>>)
      tpu.yield
    }) : () -> ()
    return
  }
}

#map = affine_map<(d0, d1) -> (0, 0)>
#map1 = affine_map<(d0, d1) -> (0, 0, 0)>
module attributes {stable_mosaic.version = 14 : i64} {
  func.func @_sc_agg(%arg0: i32, %arg1: i32, %arg2: memref<32x10000xi32, #tpu.memory_space<hbm>>, %arg3: memref<32x125x80xi32, #tpu.memory_space<hbm>>, %arg4: memref<10000x128xf32, #tpu.memory_space<hbm>>, %arg5: memref<2x10240x128xf32, #tpu.memory_space<hbm>>, %arg6: memref<10000xi32, #tpu.memory_space<vmem>>, %arg7: memref<125x80xi32, #tpu.memory_space<vmem>>, %arg8: memref<80x128xf32, #tpu.memory_space<vmem>>, %arg9: memref<80x128xf32, #tpu.memory_space<vmem>>, %arg10: memref<10240x128xf32, #tpu.memory_space<vmem_shared>>, %arg11: memref<!tpu.dma_semaphore, #tpu.memory_space<semaphore_mem>>, %arg12: memref<!tpu.dma_semaphore, #tpu.memory_space<semaphore_mem>>) attributes {dimension_semantics = [#tpu.dimension_semantics<core_parallel>, #tpu.dimension_semantics<subcore_parallel>], iteration_bounds = array<i64: 2, 16>, scalar_prefetch = 0 : i64, scratch_operands = 7 : i64, tpu.core_type = #tpu.core_type<sc_vector_subcore>, window_params = [{transform_indices = #map}, {transform_indices = #map1}, {transform_indices = #map}, {transform_indices = #map1}]} {
    %mul3A = arith.constant 2 : i32
    %mul3A_0 = arith.muli %arg1, %mul3A : i32
    %add3A = arith.addi %mul3A_0, %arg0 : i32
    "tpu.region"() ({
      %run_scoped3A_50 = tpu.sem_alloc : memref<!tpu.dma_semaphore, #tpu.memory_space<semaphore_mem>>
      %dma_start3A_51 = arith.constant 0 : i32
      %dma_start3A_52 = tpu.memref_slice %arg2[%add3A, %dma_start3A_51] : memref<32x10000xi32, #tpu.memory_space<hbm>> -> memref<1x10000xi32, #tpu.memory_space<hbm>>
      %dma_start3A_53 = tpu.memref_squeeze %dma_start3A_52 : memref<1x10000xi32, #tpu.memory_space<hbm>> -> memref<10000xi32, #tpu.memory_space<hbm>>
      %dma_start3A_54 = arith.constant 0 : i32
      %dma_start3A_55 = tpu.memref_slice %arg2[%add3A, %dma_start3A_54] : memref<32x10000xi32, #tpu.memory_space<hbm>> -> memref<1x10000xi32, #tpu.memory_space<hbm>>
      %dma_start3A_56 = tpu.memref_squeeze %dma_start3A_55 : memref<1x10000xi32, #tpu.memory_space<hbm>> -> memref<10000xi32, #tpu.memory_space<hbm>>
      tpu.enqueue_dma source(%dma_start3A_56 : memref<10000xi32, #tpu.memory_space<hbm>>) target(%arg6 : memref<10000xi32, #tpu.memory_space<vmem>>) target_semaphore(%run_scoped3A_50 : memref<!tpu.dma_semaphore, #tpu.memory_space<semaphore_mem>>)
      %dma_wait3A_57 = arith.constant 0 : i32
      %dma_wait3A_58 = tpu.memref_slice %arg2[%add3A, %dma_wait3A_57] : memref<32x10000xi32, #tpu.memory_space<hbm>> -> memref<1x10000xi32, #tpu.memory_space<hbm>>
      %dma_wait3A_59 = tpu.memref_squeeze %dma_wait3A_58 : memref<1x10000xi32, #tpu.memory_space<hbm>> -> memref<10000xi32, #tpu.memory_space<hbm>>
      %dma_wait3A_60 = arith.constant 0 : i32
      %dma_wait3A_61 = tpu.memref_slice %arg2[%add3A, %dma_wait3A_60] : memref<32x10000xi32, #tpu.memory_space<hbm>> -> memref<1x10000xi32, #tpu.memory_space<hbm>>
      %dma_wait3A_62 = tpu.memref_squeeze %dma_wait3A_61 : memref<1x10000xi32, #tpu.memory_space<hbm>> -> memref<10000xi32, #tpu.memory_space<hbm>>
      tpu.wait_dma2 semaphore(%run_scoped3A_50 : memref<!tpu.dma_semaphore, #tpu.memory_space<semaphore_mem>>) src(%dma_wait3A_62 : memref<10000xi32, #tpu.memory_space<hbm>>) dst(%arg6 : memref<10000xi32, #tpu.memory_space<vmem>>)
      tpu.yield
    }) : () -> ()
    "tpu.region"() ({
      %run_scoped3A_50 = tpu.sem_alloc : memref<!tpu.dma_semaphore, #tpu.memory_space<semaphore_mem>>
      %dma_start3A_51 = arith.constant 0 : i32
      %dma_start3A_52 = arith.constant 0 : i32
      %dma_start3A_53 = tpu.memref_slice %arg3[%add3A, %dma_start3A_51, %dma_start3A_52] : memref<32x125x80xi32, #tpu.memory_space<hbm>> -> memref<1x125x80xi32, #tpu.memory_space<hbm>>
      %dma_start3A_54 = tpu.memref_squeeze %dma_start3A_53 : memref<1x125x80xi32, #tpu.memory_space<hbm>> -> memref<125x80xi32, #tpu.memory_space<hbm>>
      %dma_start3A_55 = arith.constant 0 : i32
      %dma_start3A_56 = arith.constant 0 : i32
      %dma_start3A_57 = tpu.memref_slice %arg3[%add3A, %dma_start3A_55, %dma_start3A_56] : memref<32x125x80xi32, #tpu.memory_space<hbm>> -> memref<1x125x80xi32, #tpu.memory_space<hbm>>
      %dma_start3A_58 = tpu.memref_squeeze %dma_start3A_57 : memref<1x125x80xi32, #tpu.memory_space<hbm>> -> memref<125x80xi32, #tpu.memory_space<hbm>>
      tpu.enqueue_dma source(%dma_start3A_58 : memref<125x80xi32, #tpu.memory_space<hbm>>) target(%arg7 : memref<125x80xi32, #tpu.memory_space<vmem>>) target_semaphore(%run_scoped3A_50 : memref<!tpu.dma_semaphore, #tpu.memory_space<semaphore_mem>>)
      %dma_wait3A_59 = arith.constant 0 : i32
      %dma_wait3A_60 = arith.constant 0 : i32
      %dma_wait3A_61 = tpu.memref_slice %arg3[%add3A, %dma_wait3A_59, %dma_wait3A_60] : memref<32x125x80xi32, #tpu.memory_space<hbm>> -> memref<1x125x80xi32, #tpu.memory_space<hbm>>
      %dma_wait3A_62 = tpu.memref_squeeze %dma_wait3A_61 : memref<1x125x80xi32, #tpu.memory_space<hbm>> -> memref<125x80xi32, #tpu.memory_space<hbm>>
      %dma_wait3A_63 = arith.constant 0 : i32
      %dma_wait3A_64 = arith.constant 0 : i32
      %dma_wait3A_65 = tpu.memref_slice %arg3[%add3A, %dma_wait3A_63, %dma_wait3A_64] : memref<32x125x80xi32, #tpu.memory_space<hbm>> -> memref<1x125x80xi32, #tpu.memory_space<hbm>>
      %dma_wait3A_66 = tpu.memref_squeeze %dma_wait3A_65 : memref<1x125x80xi32, #tpu.memory_space<hbm>> -> memref<125x80xi32, #tpu.memory_space<hbm>>
      tpu.wait_dma2 semaphore(%run_scoped3A_50 : memref<!tpu.dma_semaphore, #tpu.memory_space<semaphore_mem>>) src(%dma_wait3A_66 : memref<125x80xi32, #tpu.memory_space<hbm>>) dst(%arg7 : memref<125x80xi32, #tpu.memory_space<vmem>>)
      tpu.yield
    }) : () -> ()
    %broadcast_in_dim3A = arith.constant 0.000000e+00 : f32
    %broadcast_in_dim3A_1 = vector.broadcast %broadcast_in_dim3A : f32 to vector<16xf32>
    %scan3A = arith.constant 0 : i32
    %scan3A_2 = arith.constant 0 : i32
    %scan3A_3 = arith.constant 80 : i32
    %scan3A_4 = arith.addi %scan3A_2, %scan3A_3 : i32
    %scan3A_5 = arith.constant 1 : i32
    %scan3A_6 = scf.for %scan3A_50 = %scan3A_2 to %scan3A_4 step %scan3A_5 iter_args(%scan3A_51 = %scan3A) -> (i32)  : i32 {
      %swap3A = arith.index_cast %scan3A_50 : i32 to index
      %swap3A_52 = arith.constant 0 : index
      %swap3A_53 = tpu.vector_load %arg8[%swap3A, %swap3A_52] {strides = array<i32>} : memref<80x128xf32, #tpu.memory_space<vmem>>, vector<16xf32>,
      tpu.vector_store %arg8[%swap3A, %swap3A_52], %broadcast_in_dim3A_1 {strides = array<i32>} : memref<80x128xf32, #tpu.memory_space<vmem>>, vector<16xf32>,
      %swap3A_54 = arith.index_cast %scan3A_50 : i32 to index
      %swap3A_55 = arith.constant 16 : index
      %swap3A_56 = tpu.vector_load %arg8[%swap3A_54, %swap3A_55] {strides = array<i32>} : memref<80x128xf32, #tpu.memory_space<vmem>>, vector<16xf32>,
      tpu.vector_store %arg8[%swap3A_54, %swap3A_55], %broadcast_in_dim3A_1 {strides = array<i32>} : memref<80x128xf32, #tpu.memory_space<vmem>>, vector<16xf32>,
      %swap3A_57 = arith.index_cast %scan3A_50 : i32 to index
      %swap3A_58 = arith.constant 32 : index
      %swap3A_59 = tpu.vector_load %arg8[%swap3A_57, %swap3A_58] {strides = array<i32>} : memref<80x128xf32, #tpu.memory_space<vmem>>, vector<16xf32>,
      tpu.vector_store %arg8[%swap3A_57, %swap3A_58], %broadcast_in_dim3A_1 {strides = array<i32>} : memref<80x128xf32, #tpu.memory_space<vmem>>, vector<16xf32>,
      %swap3A_60 = arith.index_cast %scan3A_50 : i32 to index
      %swap3A_61 = arith.constant 48 : index
      %swap3A_62 = tpu.vector_load %arg8[%swap3A_60, %swap3A_61] {strides = array<i32>} : memref<80x128xf32, #tpu.memory_space<vmem>>, vector<16xf32>,
      tpu.vector_store %arg8[%swap3A_60, %swap3A_61], %broadcast_in_dim3A_1 {strides = array<i32>} : memref<80x128xf32, #tpu.memory_space<vmem>>, vector<16xf32>,
      %swap3A_63 = arith.index_cast %scan3A_50 : i32 to index
      %swap3A_64 = arith.constant 64 : index
      %swap3A_65 = tpu.vector_load %arg8[%swap3A_63, %swap3A_64] {strides = array<i32>} : memref<80x128xf32, #tpu.memory_space<vmem>>, vector<16xf32>,
      tpu.vector_store %arg8[%swap3A_63, %swap3A_64], %broadcast_in_dim3A_1 {strides = array<i32>} : memref<80x128xf32, #tpu.memory_space<vmem>>, vector<16xf32>,
      %swap3A_66 = arith.index_cast %scan3A_50 : i32 to index
      %swap3A_67 = arith.constant 80 : index
      %swap3A_68 = tpu.vector_load %arg8[%swap3A_66, %swap3A_67] {strides = array<i32>} : memref<80x128xf32, #tpu.memory_space<vmem>>, vector<16xf32>,
      tpu.vector_store %arg8[%swap3A_66, %swap3A_67], %broadcast_in_dim3A_1 {strides = array<i32>} : memref<80x128xf32, #tpu.memory_space<vmem>>, vector<16xf32>,
      %swap3A_69 = arith.index_cast %scan3A_50 : i32 to index
      %swap3A_70 = arith.constant 96 : index
      %swap3A_71 = tpu.vector_load %arg8[%swap3A_69, %swap3A_70] {strides = array<i32>} : memref<80x128xf32, #tpu.memory_space<vmem>>, vector<16xf32>,
      tpu.vector_store %arg8[%swap3A_69, %swap3A_70], %broadcast_in_dim3A_1 {strides = array<i32>} : memref<80x128xf32, #tpu.memory_space<vmem>>, vector<16xf32>,
      %swap3A_72 = arith.index_cast %scan3A_50 : i32 to index
      %swap3A_73 = arith.constant 112 : index
      %swap3A_74 = tpu.vector_load %arg8[%swap3A_72, %swap3A_73] {strides = array<i32>} : memref<80x128xf32, #tpu.memory_space<vmem>>, vector<16xf32>,
      tpu.vector_store %arg8[%swap3A_72, %swap3A_73], %broadcast_in_dim3A_1 {strides = array<i32>} : memref<80x128xf32, #tpu.memory_space<vmem>>, vector<16xf32>,
      %scan3A_75 = arith.constant 0 : i32
      scf.yield %scan3A_75 : i32
    }
    %scan3A_7 = arith.constant 80 : i32
    %mul3A_8 = arith.constant 640 : i32
    %mul3A_9 = arith.muli %arg1, %mul3A_8 : i32
    %add3A_10 = arith.constant 0 : i32
    %add3A_11 = arith.addi %mul3A_9, %add3A_10 : i32
    "tpu.region"() ({
      %run_scoped3A_50 = tpu.sem_alloc : memref<!tpu.dma_semaphore, #tpu.memory_space<semaphore_mem>>
      %dma_start3A_51 = arith.constant 0 : i32
      %dma_start3A_52 = tpu.memref_slice %arg10[%add3A_11, %dma_start3A_51] : memref<10240x128xf32, #tpu.memory_space<vmem_shared>> -> memref<80x128xf32, #tpu.memory_space<vmem_shared>>
      %dma_start3A_53 = arith.constant 0 : i32
      %dma_start3A_54 = tpu.memref_slice %arg10[%add3A_11, %dma_start3A_53] : memref<10240x128xf32, #tpu.memory_space<vmem_shared>> -> memref<80x128xf32, #tpu.memory_space<vmem_shared>>
      tpu.enqueue_dma source(%arg8 : memref<80x128xf32, #tpu.memory_space<vmem>>) target(%dma_start3A_54 : memref<80x128xf32, #tpu.memory_space<vmem_shared>>) target_semaphore(%run_scoped3A_50 : memref<!tpu.dma_semaphore, #tpu.memory_space<semaphore_mem>>)
      %dma_wait3A_55 = arith.constant 0 : i32
      %dma_wait3A_56 = tpu.memref_slice %arg10[%add3A_11, %dma_wait3A_55] : memref<10240x128xf32, #tpu.memory_space<vmem_shared>> -> memref<80x128xf32, #tpu.memory_space<vmem_shared>>
      %dma_wait3A_57 = arith.constant 0 : i32
      %dma_wait3A_58 = tpu.memref_slice %arg10[%add3A_11, %dma_wait3A_57] : memref<10240x128xf32, #tpu.memory_space<vmem_shared>> -> memref<80x128xf32, #tpu.memory_space<vmem_shared>>
      tpu.wait_dma2 semaphore(%run_scoped3A_50 : memref<!tpu.dma_semaphore, #tpu.memory_space<semaphore_mem>>) src(%arg8 : memref<80x128xf32, #tpu.memory_space<vmem>>) dst(%dma_wait3A_58 : memref<80x128xf32, #tpu.memory_space<vmem_shared>>)
      tpu.yield
    }) : () -> ()
    %add3A_12 = arith.constant 80 : i32
    %add3A_13 = arith.addi %mul3A_9, %add3A_12 : i32
    "tpu.region"() ({
      %run_scoped3A_50 = tpu.sem_alloc : memref<!tpu.dma_semaphore, #tpu.memory_space<semaphore_mem>>
      %dma_start3A_51 = arith.constant 0 : i32
      %dma_start3A_52 = tpu.memref_slice %arg10[%add3A_13, %dma_start3A_51] : memref<10240x128xf32, #tpu.memory_space<vmem_shared>> -> memref<80x128xf32, #tpu.memory_space<vmem_shared>>
      %dma_start3A_53 = arith.constant 0 : i32
      %dma_start3A_54 = tpu.memref_slice %arg10[%add3A_13, %dma_start3A_53] : memref<10240x128xf32, #tpu.memory_space<vmem_shared>> -> memref<80x128xf32, #tpu.memory_space<vmem_shared>>
      tpu.enqueue_dma source(%arg8 : memref<80x128xf32, #tpu.memory_space<vmem>>) target(%dma_start3A_54 : memref<80x128xf32, #tpu.memory_space<vmem_shared>>) target_semaphore(%run_scoped3A_50 : memref<!tpu.dma_semaphore, #tpu.memory_space<semaphore_mem>>)
      %dma_wait3A_55 = arith.constant 0 : i32
      %dma_wait3A_56 = tpu.memref_slice %arg10[%add3A_13, %dma_wait3A_55] : memref<10240x128xf32, #tpu.memory_space<vmem_shared>> -> memref<80x128xf32, #tpu.memory_space<vmem_shared>>
      %dma_wait3A_57 = arith.constant 0 : i32
      %dma_wait3A_58 = tpu.memref_slice %arg10[%add3A_13, %dma_wait3A_57] : memref<10240x128xf32, #tpu.memory_space<vmem_shared>> -> memref<80x128xf32, #tpu.memory_space<vmem_shared>>
      tpu.wait_dma2 semaphore(%run_scoped3A_50 : memref<!tpu.dma_semaphore, #tpu.memory_space<semaphore_mem>>) src(%arg8 : memref<80x128xf32, #tpu.memory_space<vmem>>) dst(%dma_wait3A_58 : memref<80x128xf32, #tpu.memory_space<vmem_shared>>)
      tpu.yield
    }) : () -> ()
    %add3A_14 = arith.constant 160 : i32
    %add3A_15 = arith.addi %mul3A_9, %add3A_14 : i32
    "tpu.region"() ({
      %run_scoped3A_50 = tpu.sem_alloc : memref<!tpu.dma_semaphore, #tpu.memory_space<semaphore_mem>>
      %dma_start3A_51 = arith.constant 0 : i32
      %dma_start3A_52 = tpu.memref_slice %arg10[%add3A_15, %dma_start3A_51] : memref<10240x128xf32, #tpu.memory_space<vmem_shared>> -> memref<80x128xf32, #tpu.memory_space<vmem_shared>>
      %dma_start3A_53 = arith.constant 0 : i32
      %dma_start3A_54 = tpu.memref_slice %arg10[%add3A_15, %dma_start3A_53] : memref<10240x128xf32, #tpu.memory_space<vmem_shared>> -> memref<80x128xf32, #tpu.memory_space<vmem_shared>>
      tpu.enqueue_dma source(%arg8 : memref<80x128xf32, #tpu.memory_space<vmem>>) target(%dma_start3A_54 : memref<80x128xf32, #tpu.memory_space<vmem_shared>>) target_semaphore(%run_scoped3A_50 : memref<!tpu.dma_semaphore, #tpu.memory_space<semaphore_mem>>)
      %dma_wait3A_55 = arith.constant 0 : i32
      %dma_wait3A_56 = tpu.memref_slice %arg10[%add3A_15, %dma_wait3A_55] : memref<10240x128xf32, #tpu.memory_space<vmem_shared>> -> memref<80x128xf32, #tpu.memory_space<vmem_shared>>
      %dma_wait3A_57 = arith.constant 0 : i32
      %dma_wait3A_58 = tpu.memref_slice %arg10[%add3A_15, %dma_wait3A_57] : memref<10240x128xf32, #tpu.memory_space<vmem_shared>> -> memref<80x128xf32, #tpu.memory_space<vmem_shared>>
      tpu.wait_dma2 semaphore(%run_scoped3A_50 : memref<!tpu.dma_semaphore, #tpu.memory_space<semaphore_mem>>) src(%arg8 : memref<80x128xf32, #tpu.memory_space<vmem>>) dst(%dma_wait3A_58 : memref<80x128xf32, #tpu.memory_space<vmem_shared>>)
      tpu.yield
    }) : () -> ()
    %add3A_16 = arith.constant 240 : i32
    %add3A_17 = arith.addi %mul3A_9, %add3A_16 : i32
    "tpu.region"() ({
      %run_scoped3A_50 = tpu.sem_alloc : memref<!tpu.dma_semaphore, #tpu.memory_space<semaphore_mem>>
      %dma_start3A_51 = arith.constant 0 : i32
      %dma_start3A_52 = tpu.memref_slice %arg10[%add3A_17, %dma_start3A_51] : memref<10240x128xf32, #tpu.memory_space<vmem_shared>> -> memref<80x128xf32, #tpu.memory_space<vmem_shared>>
      %dma_start3A_53 = arith.constant 0 : i32
      %dma_start3A_54 = tpu.memref_slice %arg10[%add3A_17, %dma_start3A_53] : memref<10240x128xf32, #tpu.memory_space<vmem_shared>> -> memref<80x128xf32, #tpu.memory_space<vmem_shared>>
      tpu.enqueue_dma source(%arg8 : memref<80x128xf32, #tpu.memory_space<vmem>>) target(%dma_start3A_54 : memref<80x128xf32, #tpu.memory_space<vmem_shared>>) target_semaphore(%run_scoped3A_50 : memref<!tpu.dma_semaphore, #tpu.memory_space<semaphore_mem>>)
      %dma_wait3A_55 = arith.constant 0 : i32
      %dma_wait3A_56 = tpu.memref_slice %arg10[%add3A_17, %dma_wait3A_55] : memref<10240x128xf32, #tpu.memory_space<vmem_shared>> -> memref<80x128xf32, #tpu.memory_space<vmem_shared>>
      %dma_wait3A_57 = arith.constant 0 : i32
      %dma_wait3A_58 = tpu.memref_slice %arg10[%add3A_17, %dma_wait3A_57] : memref<10240x128xf32, #tpu.memory_space<vmem_shared>> -> memref<80x128xf32, #tpu.memory_space<vmem_shared>>
      tpu.wait_dma2 semaphore(%run_scoped3A_50 : memref<!tpu.dma_semaphore, #tpu.memory_space<semaphore_mem>>) src(%arg8 : memref<80x128xf32, #tpu.memory_space<vmem>>) dst(%dma_wait3A_58 : memref<80x128xf32, #tpu.memory_space<vmem_shared>>)
      tpu.yield
    }) : () -> ()
    %add3A_18 = arith.constant 320 : i32
    %add3A_19 = arith.addi %mul3A_9, %add3A_18 : i32
    "tpu.region"() ({
      %run_scoped3A_50 = tpu.sem_alloc : memref<!tpu.dma_semaphore, #tpu.memory_space<semaphore_mem>>
      %dma_start3A_51 = arith.constant 0 : i32
      %dma_start3A_52 = tpu.memref_slice %arg10[%add3A_19, %dma_start3A_51] : memref<10240x128xf32, #tpu.memory_space<vmem_shared>> -> memref<80x128xf32, #tpu.memory_space<vmem_shared>>
      %dma_start3A_53 = arith.constant 0 : i32
      %dma_start3A_54 = tpu.memref_slice %arg10[%add3A_19, %dma_start3A_53] : memref<10240x128xf32, #tpu.memory_space<vmem_shared>> -> memref<80x128xf32, #tpu.memory_space<vmem_shared>>
      tpu.enqueue_dma source(%arg8 : memref<80x128xf32, #tpu.memory_space<vmem>>) target(%dma_start3A_54 : memref<80x128xf32, #tpu.memory_space<vmem_shared>>) target_semaphore(%run_scoped3A_50 : memref<!tpu.dma_semaphore, #tpu.memory_space<semaphore_mem>>)
      %dma_wait3A_55 = arith.constant 0 : i32
      %dma_wait3A_56 = tpu.memref_slice %arg10[%add3A_19, %dma_wait3A_55] : memref<10240x128xf32, #tpu.memory_space<vmem_shared>> -> memref<80x128xf32, #tpu.memory_space<vmem_shared>>
      %dma_wait3A_57 = arith.constant 0 : i32
      %dma_wait3A_58 = tpu.memref_slice %arg10[%add3A_19, %dma_wait3A_57] : memref<10240x128xf32, #tpu.memory_space<vmem_shared>> -> memref<80x128xf32, #tpu.memory_space<vmem_shared>>
      tpu.wait_dma2 semaphore(%run_scoped3A_50 : memref<!tpu.dma_semaphore, #tpu.memory_space<semaphore_mem>>) src(%arg8 : memref<80x128xf32, #tpu.memory_space<vmem>>) dst(%dma_wait3A_58 : memref<80x128xf32, #tpu.memory_space<vmem_shared>>)
      tpu.yield
    }) : () -> ()
    %add3A_20 = arith.constant 400 : i32
    %add3A_21 = arith.addi %mul3A_9, %add3A_20 : i32
    "tpu.region"() ({
      %run_scoped3A_50 = tpu.sem_alloc : memref<!tpu.dma_semaphore, #tpu.memory_space<semaphore_mem>>
      %dma_start3A_51 = arith.constant 0 : i32
      %dma_start3A_52 = tpu.memref_slice %arg10[%add3A_21, %dma_start3A_51] : memref<10240x128xf32, #tpu.memory_space<vmem_shared>> -> memref<80x128xf32, #tpu.memory_space<vmem_shared>>
      %dma_start3A_53 = arith.constant 0 : i32
      %dma_start3A_54 = tpu.memref_slice %arg10[%add3A_21, %dma_start3A_53] : memref<10240x128xf32, #tpu.memory_space<vmem_shared>> -> memref<80x128xf32, #tpu.memory_space<vmem_shared>>
      tpu.enqueue_dma source(%arg8 : memref<80x128xf32, #tpu.memory_space<vmem>>) target(%dma_start3A_54 : memref<80x128xf32, #tpu.memory_space<vmem_shared>>) target_semaphore(%run_scoped3A_50 : memref<!tpu.dma_semaphore, #tpu.memory_space<semaphore_mem>>)
      %dma_wait3A_55 = arith.constant 0 : i32
      %dma_wait3A_56 = tpu.memref_slice %arg10[%add3A_21, %dma_wait3A_55] : memref<10240x128xf32, #tpu.memory_space<vmem_shared>> -> memref<80x128xf32, #tpu.memory_space<vmem_shared>>
      %dma_wait3A_57 = arith.constant 0 : i32
      %dma_wait3A_58 = tpu.memref_slice %arg10[%add3A_21, %dma_wait3A_57] : memref<10240x128xf32, #tpu.memory_space<vmem_shared>> -> memref<80x128xf32, #tpu.memory_space<vmem_shared>>
      tpu.wait_dma2 semaphore(%run_scoped3A_50 : memref<!tpu.dma_semaphore, #tpu.memory_space<semaphore_mem>>) src(%arg8 : memref<80x128xf32, #tpu.memory_space<vmem>>) dst(%dma_wait3A_58 : memref<80x128xf32, #tpu.memory_space<vmem_shared>>)
      tpu.yield
    }) : () -> ()
    %add3A_22 = arith.constant 480 : i32
    %add3A_23 = arith.addi %mul3A_9, %add3A_22 : i32
    "tpu.region"() ({
      %run_scoped3A_50 = tpu.sem_alloc : memref<!tpu.dma_semaphore, #tpu.memory_space<semaphore_mem>>
      %dma_start3A_51 = arith.constant 0 : i32
      %dma_start3A_52 = tpu.memref_slice %arg10[%add3A_23, %dma_start3A_51] : memref<10240x128xf32, #tpu.memory_space<vmem_shared>> -> memref<80x128xf32, #tpu.memory_space<vmem_shared>>
      %dma_start3A_53 = arith.constant 0 : i32
      %dma_start3A_54 = tpu.memref_slice %arg10[%add3A_23, %dma_start3A_53] : memref<10240x128xf32, #tpu.memory_space<vmem_shared>> -> memref<80x128xf32, #tpu.memory_space<vmem_shared>>
      tpu.enqueue_dma source(%arg8 : memref<80x128xf32, #tpu.memory_space<vmem>>) target(%dma_start3A_54 : memref<80x128xf32, #tpu.memory_space<vmem_shared>>) target_semaphore(%run_scoped3A_50 : memref<!tpu.dma_semaphore, #tpu.memory_space<semaphore_mem>>)
      %dma_wait3A_55 = arith.constant 0 : i32
      %dma_wait3A_56 = tpu.memref_slice %arg10[%add3A_23, %dma_wait3A_55] : memref<10240x128xf32, #tpu.memory_space<vmem_shared>> -> memref<80x128xf32, #tpu.memory_space<vmem_shared>>
      %dma_wait3A_57 = arith.constant 0 : i32
      %dma_wait3A_58 = tpu.memref_slice %arg10[%add3A_23, %dma_wait3A_57] : memref<10240x128xf32, #tpu.memory_space<vmem_shared>> -> memref<80x128xf32, #tpu.memory_space<vmem_shared>>
      tpu.wait_dma2 semaphore(%run_scoped3A_50 : memref<!tpu.dma_semaphore, #tpu.memory_space<semaphore_mem>>) src(%arg8 : memref<80x128xf32, #tpu.memory_space<vmem>>) dst(%dma_wait3A_58 : memref<80x128xf32, #tpu.memory_space<vmem_shared>>)
      tpu.yield
    }) : () -> ()
    %add3A_24 = arith.constant 560 : i32
    %add3A_25 = arith.addi %mul3A_9, %add3A_24 : i32
    "tpu.region"() ({
      %run_scoped3A_50 = tpu.sem_alloc : memref<!tpu.dma_semaphore, #tpu.memory_space<semaphore_mem>>
      %dma_start3A_51 = arith.constant 0 : i32
      %dma_start3A_52 = tpu.memref_slice %arg10[%add3A_25, %dma_start3A_51] : memref<10240x128xf32, #tpu.memory_space<vmem_shared>> -> memref<80x128xf32, #tpu.memory_space<vmem_shared>>
      %dma_start3A_53 = arith.constant 0 : i32
      %dma_start3A_54 = tpu.memref_slice %arg10[%add3A_25, %dma_start3A_53] : memref<10240x128xf32, #tpu.memory_space<vmem_shared>> -> memref<80x128xf32, #tpu.memory_space<vmem_shared>>
      tpu.enqueue_dma source(%arg8 : memref<80x128xf32, #tpu.memory_space<vmem>>) target(%dma_start3A_54 : memref<80x128xf32, #tpu.memory_space<vmem_shared>>) target_semaphore(%run_scoped3A_50 : memref<!tpu.dma_semaphore, #tpu.memory_space<semaphore_mem>>)
      %dma_wait3A_55 = arith.constant 0 : i32
      %dma_wait3A_56 = tpu.memref_slice %arg10[%add3A_25, %dma_wait3A_55] : memref<10240x128xf32, #tpu.memory_space<vmem_shared>> -> memref<80x128xf32, #tpu.memory_space<vmem_shared>>
      %dma_wait3A_57 = arith.constant 0 : i32
      %dma_wait3A_58 = tpu.memref_slice %arg10[%add3A_25, %dma_wait3A_57] : memref<10240x128xf32, #tpu.memory_space<vmem_shared>> -> memref<80x128xf32, #tpu.memory_space<vmem_shared>>
      tpu.wait_dma2 semaphore(%run_scoped3A_50 : memref<!tpu.dma_semaphore, #tpu.memory_space<semaphore_mem>>) src(%arg8 : memref<80x128xf32, #tpu.memory_space<vmem>>) dst(%dma_wait3A_58 : memref<80x128xf32, #tpu.memory_space<vmem_shared>>)
      tpu.yield
    }) : () -> ()
    %barrier3A = arith.constant 0 : index
    tpu.barrier barrier_id(%barrier3A)
    %scan3A_26 = arith.constant 0 : i32
    %scan3A_27 = arith.constant 0 : i32
    %scan3A_28 = arith.constant 62 : i32
    %scan3A_29 = arith.addi %scan3A_27, %scan3A_28 : i32
    %scan3A_30 = arith.constant 1 : i32
    %scan3A_31 = scf.for %scan3A_50 = %scan3A_27 to %scan3A_29 step %scan3A_30 iter_args(%scan3A_51 = %scan3A_26) -> (i32)  : i32 {
      %mul3A_52 = arith.constant 2 : i32
      %mul3A_53 = arith.muli %mul3A_52, %scan3A_50 : i32
      %mul3A_54 = arith.constant 80 : i32
      %mul3A_55 = arith.muli %mul3A_53, %mul3A_54 : i32
      %dma_start3A_56 = tpu.memref_slice %arg6[%mul3A_55] : memref<10000xi32, #tpu.memory_space<vmem>> -> memref<80xi32, #tpu.memory_space<vmem>>
      %dma_start3A_57 = arith.constant 0 : i32
      %dma_start3A_58 = arith.constant 0 : i32
      %dma_start3A_59 = tpu.memref_slice %arg4[%dma_start3A_57, %dma_start3A_58] : memref<10000x128xf32, #tpu.memory_space<hbm>> -> memref<10000x128xf32, #tpu.memory_space<hbm>>
      tpu.enqueue_indirect_dma source(%dma_start3A_59 : memref<10000x128xf32, #tpu.memory_space<hbm>>) target(%arg8 : memref<80x128xf32, #tpu.memory_space<vmem>>) offsets(%dma_start3A_56 : memref<80xi32, #tpu.memory_space<vmem>>) semaphore(%arg11 : memref<!tpu.dma_semaphore, #tpu.memory_space<semaphore_mem>>)
      %add3A_60 = arith.constant 1 : i32
      %add3A_61 = arith.addi %mul3A_53, %add3A_60 : i32
      %mul3A_62 = arith.constant 80 : i32
      %mul3A_63 = arith.muli %add3A_61, %mul3A_62 : i32
      %dma_start3A_64 = tpu.memref_slice %arg6[%mul3A_63] : memref<10000xi32, #tpu.memory_space<vmem>> -> memref<80xi32, #tpu.memory_space<vmem>>
      %dma_start3A_65 = arith.constant 0 : i32
      %dma_start3A_66 = arith.constant 0 : i32
      %dma_start3A_67 = tpu.memref_slice %arg4[%dma_start3A_65, %dma_start3A_66] : memref<10000x128xf32, #tpu.memory_space<hbm>> -> memref<10000x128xf32, #tpu.memory_space<hbm>>
      tpu.enqueue_indirect_dma source(%dma_start3A_67 : memref<10000x128xf32, #tpu.memory_space<hbm>>) target(%arg9 : memref<80x128xf32, #tpu.memory_space<vmem>>) offsets(%dma_start3A_64 : memref<80xi32, #tpu.memory_space<vmem>>) semaphore(%arg12 : memref<!tpu.dma_semaphore, #tpu.memory_space<semaphore_mem>>)
      %dma_wait3A_68 = tpu.memref_slice %arg6[%mul3A_55] : memref<10000xi32, #tpu.memory_space<vmem>> -> memref<80xi32, #tpu.memory_space<vmem>>
      %dma_wait3A_69 = arith.constant 0 : i32
      %dma_wait3A_70 = arith.constant 0 : i32
      %dma_wait3A_71 = tpu.memref_slice %arg4[%dma_wait3A_69, %dma_wait3A_70] : memref<10000x128xf32, #tpu.memory_space<hbm>> -> memref<10000x128xf32, #tpu.memory_space<hbm>>
      tpu.wait_indirect_dma semaphore(%arg11 : memref<!tpu.dma_semaphore, #tpu.memory_space<semaphore_mem>>) src(%dma_wait3A_71 : memref<10000x128xf32, #tpu.memory_space<hbm>>) dst(%arg8 : memref<80x128xf32, #tpu.memory_space<vmem>>)
      "tpu.region"() ({
        %run_scoped3A_79 = tpu.sem_alloc : memref<!tpu.dma_semaphore, #tpu.memory_space<semaphore_mem>>
        %dma_start3A_80 = arith.constant 0 : i32
        %dma_start3A_81 = tpu.memref_slice %arg7[%mul3A_53, %dma_start3A_80] : memref<125x80xi32, #tpu.memory_space<vmem>> -> memref<1x80xi32, #tpu.memory_space<vmem>>
        %dma_start3A_82 = tpu.memref_squeeze %dma_start3A_81 : memref<1x80xi32, #tpu.memory_space<vmem>> -> memref<80xi32, #tpu.memory_space<vmem>>
        %dma_start3A_83 = arith.constant 0 : i32
        %dma_start3A_84 = arith.constant 0 : i32
        %dma_start3A_85 = tpu.memref_slice %arg10[%dma_start3A_83, %dma_start3A_84] : memref<10240x128xf32, #tpu.memory_space<vmem_shared>> -> memref<10240x128xf32, #tpu.memory_space<vmem_shared>>
        tpu.enqueue_indirect_dma source(%arg8 : memref<80x128xf32, #tpu.memory_space<vmem>>) target(%dma_start3A_85 : memref<10240x128xf32, #tpu.memory_space<vmem_shared>>) offsets(%dma_start3A_82 : memref<80xi32, #tpu.memory_space<vmem>>) semaphore(%run_scoped3A_79 : memref<!tpu.dma_semaphore, #tpu.memory_space<semaphore_mem>>) {add = true}
        %dma_wait3A_86 = arith.constant 0 : i32
        %dma_wait3A_87 = tpu.memref_slice %arg7[%mul3A_53, %dma_wait3A_86] : memref<125x80xi32, #tpu.memory_space<vmem>> -> memref<1x80xi32, #tpu.memory_space<vmem>>
        %dma_wait3A_88 = tpu.memref_squeeze %dma_wait3A_87 : memref<1x80xi32, #tpu.memory_space<vmem>> -> memref<80xi32, #tpu.memory_space<vmem>>
        %dma_wait3A_89 = arith.constant 0 : i32
        %dma_wait3A_90 = arith.constant 0 : i32
        %dma_wait3A_91 = tpu.memref_slice %arg10[%dma_wait3A_89, %dma_wait3A_90] : memref<10240x128xf32, #tpu.memory_space<vmem_shared>> -> memref<10240x128xf32, #tpu.memory_space<vmem_shared>>
        tpu.wait_indirect_dma semaphore(%run_scoped3A_79 : memref<!tpu.dma_semaphore, #tpu.memory_space<semaphore_mem>>) src(%arg8 : memref<80x128xf32, #tpu.memory_space<vmem>>) dst(%dma_wait3A_91 : memref<10240x128xf32, #tpu.memory_space<vmem_shared>>)
        tpu.yield
      }) : () -> ()
      %dma_wait3A_72 = tpu.memref_slice %arg6[%mul3A_63] : memref<10000xi32, #tpu.memory_space<vmem>> -> memref<80xi32, #tpu.memory_space<vmem>>
      %dma_wait3A_73 = arith.constant 0 : i32
      %dma_wait3A_74 = arith.constant 0 : i32
      %dma_wait3A_75 = tpu.memref_slice %arg4[%dma_wait3A_73, %dma_wait3A_74] : memref<10000x128xf32, #tpu.memory_space<hbm>> -> memref<10000x128xf32, #tpu.memory_space<hbm>>
      tpu.wait_indirect_dma semaphore(%arg12 : memref<!tpu.dma_semaphore, #tpu.memory_space<semaphore_mem>>) src(%dma_wait3A_75 : memref<10000x128xf32, #tpu.memory_space<hbm>>) dst(%arg9 : memref<80x128xf32, #tpu.memory_space<vmem>>)
      %add3A_76 = arith.constant 1 : i32
      %add3A_77 = arith.addi %mul3A_53, %add3A_76 : i32
      "tpu.region"() ({
        %run_scoped3A_79 = tpu.sem_alloc : memref<!tpu.dma_semaphore, #tpu.memory_space<semaphore_mem>>
        %dma_start3A_80 = arith.constant 0 : i32
        %dma_start3A_81 = tpu.memref_slice %arg7[%add3A_77, %dma_start3A_80] : memref<125x80xi32, #tpu.memory_space<vmem>> -> memref<1x80xi32, #tpu.memory_space<vmem>>
        %dma_start3A_82 = tpu.memref_squeeze %dma_start3A_81 : memref<1x80xi32, #tpu.memory_space<vmem>> -> memref<80xi32, #tpu.memory_space<vmem>>
        %dma_start3A_83 = arith.constant 0 : i32
        %dma_start3A_84 = arith.constant 0 : i32
        %dma_start3A_85 = tpu.memref_slice %arg10[%dma_start3A_83, %dma_start3A_84] : memref<10240x128xf32, #tpu.memory_space<vmem_shared>> -> memref<10240x128xf32, #tpu.memory_space<vmem_shared>>
        tpu.enqueue_indirect_dma source(%arg9 : memref<80x128xf32, #tpu.memory_space<vmem>>) target(%dma_start3A_85 : memref<10240x128xf32, #tpu.memory_space<vmem_shared>>) offsets(%dma_start3A_82 : memref<80xi32, #tpu.memory_space<vmem>>) semaphore(%run_scoped3A_79 : memref<!tpu.dma_semaphore, #tpu.memory_space<semaphore_mem>>) {add = true}
        %dma_wait3A_86 = arith.constant 0 : i32
        %dma_wait3A_87 = tpu.memref_slice %arg7[%add3A_77, %dma_wait3A_86] : memref<125x80xi32, #tpu.memory_space<vmem>> -> memref<1x80xi32, #tpu.memory_space<vmem>>
        %dma_wait3A_88 = tpu.memref_squeeze %dma_wait3A_87 : memref<1x80xi32, #tpu.memory_space<vmem>> -> memref<80xi32, #tpu.memory_space<vmem>>
        %dma_wait3A_89 = arith.constant 0 : i32
        %dma_wait3A_90 = arith.constant 0 : i32
        %dma_wait3A_91 = tpu.memref_slice %arg10[%dma_wait3A_89, %dma_wait3A_90] : memref<10240x128xf32, #tpu.memory_space<vmem_shared>> -> memref<10240x128xf32, #tpu.memory_space<vmem_shared>>
        tpu.wait_indirect_dma semaphore(%run_scoped3A_79 : memref<!tpu.dma_semaphore, #tpu.memory_space<semaphore_mem>>) src(%arg9 : memref<80x128xf32, #tpu.memory_space<vmem>>) dst(%dma_wait3A_91 : memref<10240x128xf32, #tpu.memory_space<vmem_shared>>)
        tpu.yield
      }) : () -> ()
      %scan3A_78 = arith.constant 0 : i32
      scf.yield %scan3A_78 : i32
    }
    %scan3A_32 = arith.constant 62 : i32
    %dma_start3A = arith.constant 9920 : i32
    %dma_start3A_33 = tpu.memref_slice %arg6[%dma_start3A] : memref<10000xi32, #tpu.memory_space<vmem>> -> memref<80xi32, #tpu.memory_space<vmem>>
    %dma_start3A_34 = arith.constant 0 : i32
    %dma_start3A_35 = arith.constant 0 : i32
    %dma_start3A_36 = tpu.memref_slice %arg4[%dma_start3A_34, %dma_start3A_35] : memref<10000x128xf32, #tpu.memory_space<hbm>> -> memref<10000x128xf32, #tpu.memory_space<hbm>>
    tpu.enqueue_indirect_dma source(%dma_start3A_36 : memref<10000x128xf32, #tpu.memory_space<hbm>>) target(%arg8 : memref<80x128xf32, #tpu.memory_space<vmem>>) offsets(%dma_start3A_33 : memref<80xi32, #tpu.memory_space<vmem>>) semaphore(%arg11 : memref<!tpu.dma_semaphore, #tpu.memory_space<semaphore_mem>>)
    %dma_wait3A = arith.constant 9920 : i32
    %dma_wait3A_37 = tpu.memref_slice %arg6[%dma_wait3A] : memref<10000xi32, #tpu.memory_space<vmem>> -> memref<80xi32, #tpu.memory_space<vmem>>
    %dma_wait3A_38 = arith.constant 0 : i32
    %dma_wait3A_39 = arith.constant 0 : i32
    %dma_wait3A_40 = tpu.memref_slice %arg4[%dma_wait3A_38, %dma_wait3A_39] : memref<10000x128xf32, #tpu.memory_space<hbm>> -> memref<10000x128xf32, #tpu.memory_space<hbm>>
    tpu.wait_indirect_dma semaphore(%arg11 : memref<!tpu.dma_semaphore, #tpu.memory_space<semaphore_mem>>) src(%dma_wait3A_40 : memref<10000x128xf32, #tpu.memory_space<hbm>>) dst(%arg8 : memref<80x128xf32, #tpu.memory_space<vmem>>)
    %run_scoped3A = arith.constant 124 : i32
    "tpu.region"() ({
      %run_scoped3A_50 = tpu.sem_alloc : memref<!tpu.dma_semaphore, #tpu.memory_space<semaphore_mem>>
      %dma_start3A_51 = arith.constant 0 : i32
      %dma_start3A_52 = tpu.memref_slice %arg7[%run_scoped3A, %dma_start3A_51] : memref<125x80xi32, #tpu.memory_space<vmem>> -> memref<1x80xi32, #tpu.memory_space<vmem>>
      %dma_start3A_53 = tpu.memref_squeeze %dma_start3A_52 : memref<1x80xi32, #tpu.memory_space<vmem>> -> memref<80xi32, #tpu.memory_space<vmem>>
      %dma_start3A_54 = arith.constant 0 : i32
      %dma_start3A_55 = arith.constant 0 : i32
      %dma_start3A_56 = tpu.memref_slice %arg10[%dma_start3A_54, %dma_start3A_55] : memref<10240x128xf32, #tpu.memory_space<vmem_shared>> -> memref<10240x128xf32, #tpu.memory_space<vmem_shared>>
      tpu.enqueue_indirect_dma source(%arg8 : memref<80x128xf32, #tpu.memory_space<vmem>>) target(%dma_start3A_56 : memref<10240x128xf32, #tpu.memory_space<vmem_shared>>) offsets(%dma_start3A_53 : memref<80xi32, #tpu.memory_space<vmem>>) semaphore(%run_scoped3A_50 : memref<!tpu.dma_semaphore, #tpu.memory_space<semaphore_mem>>) {add = true}
      %dma_wait3A_57 = arith.constant 0 : i32
      %dma_wait3A_58 = tpu.memref_slice %arg7[%run_scoped3A, %dma_wait3A_57] : memref<125x80xi32, #tpu.memory_space<vmem>> -> memref<1x80xi32, #tpu.memory_space<vmem>>
      %dma_wait3A_59 = tpu.memref_squeeze %dma_wait3A_58 : memref<1x80xi32, #tpu.memory_space<vmem>> -> memref<80xi32, #tpu.memory_space<vmem>>
      %dma_wait3A_60 = arith.constant 0 : i32
      %dma_wait3A_61 = arith.constant 0 : i32
      %dma_wait3A_62 = tpu.memref_slice %arg10[%dma_wait3A_60, %dma_wait3A_61] : memref<10240x128xf32, #tpu.memory_space<vmem_shared>> -> memref<10240x128xf32, #tpu.memory_space<vmem_shared>>
      tpu.wait_indirect_dma semaphore(%run_scoped3A_50 : memref<!tpu.dma_semaphore, #tpu.memory_space<semaphore_mem>>) src(%arg8 : memref<80x128xf32, #tpu.memory_space<vmem>>) dst(%dma_wait3A_62 : memref<10240x128xf32, #tpu.memory_space<vmem_shared>>)
      tpu.yield
    }) : () -> ()
    %barrier3A_41 = arith.constant 0 : index
    tpu.barrier barrier_id(%barrier3A_41)
    %add3A_42 = arith.constant 0 : i32
    %add3A_43 = arith.addi %mul3A_9, %add3A_42 : i32
    "tpu.region"() ({
      %run_scoped3A_50 = tpu.sem_alloc : memref<!tpu.dma_semaphore, #tpu.memory_space<semaphore_mem>>
      %dma_start3A_51 = arith.constant 0 : i32
      %dma_start3A_52 = tpu.memref_slice %arg5[%arg0, %add3A_43, %dma_start3A_51] : memref<2x10240x128xf32, #tpu.memory_space<hbm>> -> memref<1x160x128xf32, #tpu.memory_space<hbm>>
      %dma_start3A_53 = tpu.memref_squeeze %dma_start3A_52 : memref<1x160x128xf32, #tpu.memory_space<hbm>> -> memref<160x128xf32, #tpu.memory_space<hbm>>
      %dma_start3A_54 = arith.constant 0 : i32
      %dma_start3A_55 = tpu.memref_slice %arg10[%add3A_43, %dma_start3A_54] : memref<10240x128xf32, #tpu.memory_space<vmem_shared>> -> memref<160x128xf32, #tpu.memory_space<vmem_shared>>
      tpu.enqueue_dma source(%dma_start3A_55 : memref<160x128xf32, #tpu.memory_space<vmem_shared>>) target(%dma_start3A_53 : memref<160x128xf32, #tpu.memory_space<hbm>>) target_semaphore(%run_scoped3A_50 : memref<!tpu.dma_semaphore, #tpu.memory_space<semaphore_mem>>)
      %dma_wait3A_56 = arith.constant 0 : i32
      %dma_wait3A_57 = tpu.memref_slice %arg5[%arg0, %add3A_43, %dma_wait3A_56] : memref<2x10240x128xf32, #tpu.memory_space<hbm>> -> memref<1x160x128xf32, #tpu.memory_space<hbm>>
      %dma_wait3A_58 = tpu.memref_squeeze %dma_wait3A_57 : memref<1x160x128xf32, #tpu.memory_space<hbm>> -> memref<160x128xf32, #tpu.memory_space<hbm>>
      %dma_wait3A_59 = arith.constant 0 : i32
      %dma_wait3A_60 = tpu.memref_slice %arg10[%add3A_43, %dma_wait3A_59] : memref<10240x128xf32, #tpu.memory_space<vmem_shared>> -> memref<160x128xf32, #tpu.memory_space<vmem_shared>>
      tpu.wait_dma2 semaphore(%run_scoped3A_50 : memref<!tpu.dma_semaphore, #tpu.memory_space<semaphore_mem>>) src(%dma_wait3A_60 : memref<160x128xf32, #tpu.memory_space<vmem_shared>>) dst(%dma_wait3A_58 : memref<160x128xf32, #tpu.memory_space<hbm>>)
      tpu.yield
    }) : () -> ()
    %add3A_44 = arith.constant 160 : i32
    %add3A_45 = arith.addi %mul3A_9, %add3A_44 : i32
    "tpu.region"() ({
      %run_scoped3A_50 = tpu.sem_alloc : memref<!tpu.dma_semaphore, #tpu.memory_space<semaphore_mem>>
      %dma_start3A_51 = arith.constant 0 : i32
      %dma_start3A_52 = tpu.memref_slice %arg5[%arg0, %add3A_45, %dma_start3A_51] : memref<2x10240x128xf32, #tpu.memory_space<hbm>> -> memref<1x160x128xf32, #tpu.memory_space<hbm>>
      %dma_start3A_53 = tpu.memref_squeeze %dma_start3A_52 : memref<1x160x128xf32, #tpu.memory_space<hbm>> -> memref<160x128xf32, #tpu.memory_space<hbm>>
      %dma_start3A_54 = arith.constant 0 : i32
      %dma_start3A_55 = tpu.memref_slice %arg10[%add3A_45, %dma_start3A_54] : memref<10240x128xf32, #tpu.memory_space<vmem_shared>> -> memref<160x128xf32, #tpu.memory_space<vmem_shared>>
      tpu.enqueue_dma source(%dma_start3A_55 : memref<160x128xf32, #tpu.memory_space<vmem_shared>>) target(%dma_start3A_53 : memref<160x128xf32, #tpu.memory_space<hbm>>) target_semaphore(%run_scoped3A_50 : memref<!tpu.dma_semaphore, #tpu.memory_space<semaphore_mem>>)
      %dma_wait3A_56 = arith.constant 0 : i32
      %dma_wait3A_57 = tpu.memref_slice %arg5[%arg0, %add3A_45, %dma_wait3A_56] : memref<2x10240x128xf32, #tpu.memory_space<hbm>> -> memref<1x160x128xf32, #tpu.memory_space<hbm>>
      %dma_wait3A_58 = tpu.memref_squeeze %dma_wait3A_57 : memref<1x160x128xf32, #tpu.memory_space<hbm>> -> memref<160x128xf32, #tpu.memory_space<hbm>>
      %dma_wait3A_59 = arith.constant 0 : i32
      %dma_wait3A_60 = tpu.memref_slice %arg10[%add3A_45, %dma_wait3A_59] : memref<10240x128xf32, #tpu.memory_space<vmem_shared>> -> memref<160x128xf32, #tpu.memory_space<vmem_shared>>
      tpu.wait_dma2 semaphore(%run_scoped3A_50 : memref<!tpu.dma_semaphore, #tpu.memory_space<semaphore_mem>>) src(%dma_wait3A_60 : memref<160x128xf32, #tpu.memory_space<vmem_shared>>) dst(%dma_wait3A_58 : memref<160x128xf32, #tpu.memory_space<hbm>>)
      tpu.yield
    }) : () -> ()
    %add3A_46 = arith.constant 320 : i32
    %add3A_47 = arith.addi %mul3A_9, %add3A_46 : i32
    "tpu.region"() ({
      %run_scoped3A_50 = tpu.sem_alloc : memref<!tpu.dma_semaphore, #tpu.memory_space<semaphore_mem>>
      %dma_start3A_51 = arith.constant 0 : i32
      %dma_start3A_52 = tpu.memref_slice %arg5[%arg0, %add3A_47, %dma_start3A_51] : memref<2x10240x128xf32, #tpu.memory_space<hbm>> -> memref<1x160x128xf32, #tpu.memory_space<hbm>>
      %dma_start3A_53 = tpu.memref_squeeze %dma_start3A_52 : memref<1x160x128xf32, #tpu.memory_space<hbm>> -> memref<160x128xf32, #tpu.memory_space<hbm>>
      %dma_start3A_54 = arith.constant 0 : i32
      %dma_start3A_55 = tpu.memref_slice %arg10[%add3A_47, %dma_start3A_54] : memref<10240x128xf32, #tpu.memory_space<vmem_shared>> -> memref<160x128xf32, #tpu.memory_space<vmem_shared>>
      tpu.enqueue_dma source(%dma_start3A_55 : memref<160x128xf32, #tpu.memory_space<vmem_shared>>) target(%dma_start3A_53 : memref<160x128xf32, #tpu.memory_space<hbm>>) target_semaphore(%run_scoped3A_50 : memref<!tpu.dma_semaphore, #tpu.memory_space<semaphore_mem>>)
      %dma_wait3A_56 = arith.constant 0 : i32
      %dma_wait3A_57 = tpu.memref_slice %arg5[%arg0, %add3A_47, %dma_wait3A_56] : memref<2x10240x128xf32, #tpu.memory_space<hbm>> -> memref<1x160x128xf32, #tpu.memory_space<hbm>>
      %dma_wait3A_58 = tpu.memref_squeeze %dma_wait3A_57 : memref<1x160x128xf32, #tpu.memory_space<hbm>> -> memref<160x128xf32, #tpu.memory_space<hbm>>
      %dma_wait3A_59 = arith.constant 0 : i32
      %dma_wait3A_60 = tpu.memref_slice %arg10[%add3A_47, %dma_wait3A_59] : memref<10240x128xf32, #tpu.memory_space<vmem_shared>> -> memref<160x128xf32, #tpu.memory_space<vmem_shared>>
      tpu.wait_dma2 semaphore(%run_scoped3A_50 : memref<!tpu.dma_semaphore, #tpu.memory_space<semaphore_mem>>) src(%dma_wait3A_60 : memref<160x128xf32, #tpu.memory_space<vmem_shared>>) dst(%dma_wait3A_58 : memref<160x128xf32, #tpu.memory_space<hbm>>)
      tpu.yield
    }) : () -> ()
    %add3A_48 = arith.constant 480 : i32
    %add3A_49 = arith.addi %mul3A_9, %add3A_48 : i32
    "tpu.region"() ({
      %run_scoped3A_50 = tpu.sem_alloc : memref<!tpu.dma_semaphore, #tpu.memory_space<semaphore_mem>>
      %dma_start3A_51 = arith.constant 0 : i32
      %dma_start3A_52 = tpu.memref_slice %arg5[%arg0, %add3A_49, %dma_start3A_51] : memref<2x10240x128xf32, #tpu.memory_space<hbm>> -> memref<1x160x128xf32, #tpu.memory_space<hbm>>
      %dma_start3A_53 = tpu.memref_squeeze %dma_start3A_52 : memref<1x160x128xf32, #tpu.memory_space<hbm>> -> memref<160x128xf32, #tpu.memory_space<hbm>>
      %dma_start3A_54 = arith.constant 0 : i32
      %dma_start3A_55 = tpu.memref_slice %arg10[%add3A_49, %dma_start3A_54] : memref<10240x128xf32, #tpu.memory_space<vmem_shared>> -> memref<160x128xf32, #tpu.memory_space<vmem_shared>>
      tpu.enqueue_dma source(%dma_start3A_55 : memref<160x128xf32, #tpu.memory_space<vmem_shared>>) target(%dma_start3A_53 : memref<160x128xf32, #tpu.memory_space<hbm>>) target_semaphore(%run_scoped3A_50 : memref<!tpu.dma_semaphore, #tpu.memory_space<semaphore_mem>>)
      %dma_wait3A_56 = arith.constant 0 : i32
      %dma_wait3A_57 = tpu.memref_slice %arg5[%arg0, %add3A_49, %dma_wait3A_56] : memref<2x10240x128xf32, #tpu.memory_space<hbm>> -> memref<1x160x128xf32, #tpu.memory_space<hbm>>
      %dma_wait3A_58 = tpu.memref_squeeze %dma_wait3A_57 : memref<1x160x128xf32, #tpu.memory_space<hbm>> -> memref<160x128xf32, #tpu.memory_space<hbm>>
      %dma_wait3A_59 = arith.constant 0 : i32
      %dma_wait3A_60 = tpu.memref_slice %arg10[%add3A_49, %dma_wait3A_59] : memref<10240x128xf32, #tpu.memory_space<vmem_shared>> -> memref<160x128xf32, #tpu.memory_space<vmem_shared>>
      tpu.wait_dma2 semaphore(%run_scoped3A_50 : memref<!tpu.dma_semaphore, #tpu.memory_space<semaphore_mem>>) src(%dma_wait3A_60 : memref<160x128xf32, #tpu.memory_space<vmem_shared>>) dst(%dma_wait3A_58 : memref<160x128xf32, #tpu.memory_space<hbm>>)
      tpu.yield
    }) : () -> ()
    return
  }
}

#map = affine_map<(d0, d1) -> (0, 0, 0)>
#map1 = affine_map<(d0, d1) -> (0)>
module attributes {stable_mosaic.version = 14 : i64} {
  func.func @_sc_sacc(%arg0: i32, %arg1: i32, %arg2: memref<32x125x80xi32, #tpu.memory_space<hbm>>, %arg3: memref<32x125x80xi32, #tpu.memory_space<hbm>>, %arg4: memref<10000xf32, #tpu.memory_space<hbm>>, %arg5: memref<32x1x10000xf32, #tpu.memory_space<hbm>>, %arg6: memref<125x80xi32, #tpu.memory_space<vmem>>, %arg7: memref<125x80xi32, #tpu.memory_space<vmem>>, %arg8: memref<10000xf32, #tpu.memory_space<vmem>>, %arg9: memref<10000xf32, #tpu.memory_space<vmem>>) attributes {dimension_semantics = [#tpu.dimension_semantics<core_parallel>, #tpu.dimension_semantics<subcore_parallel>], iteration_bounds = array<i64: 2, 16>, scalar_prefetch = 0 : i64, scratch_operands = 4 : i64, tpu.core_type = #tpu.core_type<sc_vector_subcore>, window_params = [{transform_indices = #map}, {transform_indices = #map}, {transform_indices = #map1}, {transform_indices = #map}]} {
    %mul3A = arith.constant 2 : i32
    %mul3A_0 = arith.muli %arg1, %mul3A : i32
    %add3A = arith.addi %mul3A_0, %arg0 : i32
    "tpu.region"() ({
      %run_scoped3A_15 = tpu.sem_alloc : memref<!tpu.dma_semaphore, #tpu.memory_space<semaphore_mem>>
      %dma_start3A = arith.constant 0 : i32
      %dma_start3A_16 = arith.constant 0 : i32
      %dma_start3A_17 = tpu.memref_slice %arg2[%add3A, %dma_start3A, %dma_start3A_16] : memref<32x125x80xi32, #tpu.memory_space<hbm>> -> memref<1x125x80xi32, #tpu.memory_space<hbm>>
      %dma_start3A_18 = tpu.memref_squeeze %dma_start3A_17 : memref<1x125x80xi32, #tpu.memory_space<hbm>> -> memref<125x80xi32, #tpu.memory_space<hbm>>
      %dma_start3A_19 = arith.constant 0 : i32
      %dma_start3A_20 = arith.constant 0 : i32
      %dma_start3A_21 = tpu.memref_slice %arg2[%add3A, %dma_start3A_19, %dma_start3A_20] : memref<32x125x80xi32, #tpu.memory_space<hbm>> -> memref<1x125x80xi32, #tpu.memory_space<hbm>>
      %dma_start3A_22 = tpu.memref_squeeze %dma_start3A_21 : memref<1x125x80xi32, #tpu.memory_space<hbm>> -> memref<125x80xi32, #tpu.memory_space<hbm>>
      tpu.enqueue_dma source(%dma_start3A_22 : memref<125x80xi32, #tpu.memory_space<hbm>>) target(%arg6 : memref<125x80xi32, #tpu.memory_space<vmem>>) target_semaphore(%run_scoped3A_15 : memref<!tpu.dma_semaphore, #tpu.memory_space<semaphore_mem>>)
      %dma_wait3A = arith.constant 0 : i32
      %dma_wait3A_23 = arith.constant 0 : i32
      %dma_wait3A_24 = tpu.memref_slice %arg2[%add3A, %dma_wait3A, %dma_wait3A_23] : memref<32x125x80xi32, #tpu.memory_space<hbm>> -> memref<1x125x80xi32, #tpu.memory_space<hbm>>
      %dma_wait3A_25 = tpu.memref_squeeze %dma_wait3A_24 : memref<1x125x80xi32, #tpu.memory_space<hbm>> -> memref<125x80xi32, #tpu.memory_space<hbm>>
      %dma_wait3A_26 = arith.constant 0 : i32
      %dma_wait3A_27 = arith.constant 0 : i32
      %dma_wait3A_28 = tpu.memref_slice %arg2[%add3A, %dma_wait3A_26, %dma_wait3A_27] : memref<32x125x80xi32, #tpu.memory_space<hbm>> -> memref<1x125x80xi32, #tpu.memory_space<hbm>>
      %dma_wait3A_29 = tpu.memref_squeeze %dma_wait3A_28 : memref<1x125x80xi32, #tpu.memory_space<hbm>> -> memref<125x80xi32, #tpu.memory_space<hbm>>
      tpu.wait_dma2 semaphore(%run_scoped3A_15 : memref<!tpu.dma_semaphore, #tpu.memory_space<semaphore_mem>>) src(%dma_wait3A_29 : memref<125x80xi32, #tpu.memory_space<hbm>>) dst(%arg6 : memref<125x80xi32, #tpu.memory_space<vmem>>)
      tpu.yield
    }) : () -> ()
    "tpu.region"() ({
      %run_scoped3A_15 = tpu.sem_alloc : memref<!tpu.dma_semaphore, #tpu.memory_space<semaphore_mem>>
      %dma_start3A = arith.constant 0 : i32
      %dma_start3A_16 = arith.constant 0 : i32
      %dma_start3A_17 = tpu.memref_slice %arg3[%add3A, %dma_start3A, %dma_start3A_16] : memref<32x125x80xi32, #tpu.memory_space<hbm>> -> memref<1x125x80xi32, #tpu.memory_space<hbm>>
      %dma_start3A_18 = tpu.memref_squeeze %dma_start3A_17 : memref<1x125x80xi32, #tpu.memory_space<hbm>> -> memref<125x80xi32, #tpu.memory_space<hbm>>
      %dma_start3A_19 = arith.constant 0 : i32
      %dma_start3A_20 = arith.constant 0 : i32
      %dma_start3A_21 = tpu.memref_slice %arg3[%add3A, %dma_start3A_19, %dma_start3A_20] : memref<32x125x80xi32, #tpu.memory_space<hbm>> -> memref<1x125x80xi32, #tpu.memory_space<hbm>>
      %dma_start3A_22 = tpu.memref_squeeze %dma_start3A_21 : memref<1x125x80xi32, #tpu.memory_space<hbm>> -> memref<125x80xi32, #tpu.memory_space<hbm>>
      tpu.enqueue_dma source(%dma_start3A_22 : memref<125x80xi32, #tpu.memory_space<hbm>>) target(%arg7 : memref<125x80xi32, #tpu.memory_space<vmem>>) target_semaphore(%run_scoped3A_15 : memref<!tpu.dma_semaphore, #tpu.memory_space<semaphore_mem>>)
      %dma_wait3A = arith.constant 0 : i32
      %dma_wait3A_23 = arith.constant 0 : i32
      %dma_wait3A_24 = tpu.memref_slice %arg3[%add3A, %dma_wait3A, %dma_wait3A_23] : memref<32x125x80xi32, #tpu.memory_space<hbm>> -> memref<1x125x80xi32, #tpu.memory_space<hbm>>
      %dma_wait3A_25 = tpu.memref_squeeze %dma_wait3A_24 : memref<1x125x80xi32, #tpu.memory_space<hbm>> -> memref<125x80xi32, #tpu.memory_space<hbm>>
      %dma_wait3A_26 = arith.constant 0 : i32
      %dma_wait3A_27 = arith.constant 0 : i32
      %dma_wait3A_28 = tpu.memref_slice %arg3[%add3A, %dma_wait3A_26, %dma_wait3A_27] : memref<32x125x80xi32, #tpu.memory_space<hbm>> -> memref<1x125x80xi32, #tpu.memory_space<hbm>>
      %dma_wait3A_29 = tpu.memref_squeeze %dma_wait3A_28 : memref<1x125x80xi32, #tpu.memory_space<hbm>> -> memref<125x80xi32, #tpu.memory_space<hbm>>
      tpu.wait_dma2 semaphore(%run_scoped3A_15 : memref<!tpu.dma_semaphore, #tpu.memory_space<semaphore_mem>>) src(%dma_wait3A_29 : memref<125x80xi32, #tpu.memory_space<hbm>>) dst(%arg7 : memref<125x80xi32, #tpu.memory_space<vmem>>)
      tpu.yield
    }) : () -> ()
    "tpu.region"() ({
      %run_scoped3A_15 = tpu.sem_alloc : memref<!tpu.dma_semaphore, #tpu.memory_space<semaphore_mem>>
      tpu.enqueue_dma source(%arg4 : memref<10000xf32, #tpu.memory_space<hbm>>) target(%arg8 : memref<10000xf32, #tpu.memory_space<vmem>>) target_semaphore(%run_scoped3A_15 : memref<!tpu.dma_semaphore, #tpu.memory_space<semaphore_mem>>)
      tpu.wait_dma2 semaphore(%run_scoped3A_15 : memref<!tpu.dma_semaphore, #tpu.memory_space<semaphore_mem>>) src(%arg4 : memref<10000xf32, #tpu.memory_space<hbm>>) dst(%arg8 : memref<10000xf32, #tpu.memory_space<vmem>>)
      tpu.yield
    }) : () -> ()
    %broadcast_in_dim3A = arith.constant 0.000000e+00 : f32
    %broadcast_in_dim3A_1 = vector.broadcast %broadcast_in_dim3A : f32 to vector<16xf32>
    %scan3A = arith.constant 0 : i32
    %scan3A_2 = arith.constant 0 : i32
    %scan3A_3 = arith.constant 625 : i32
    %scan3A_4 = arith.addi %scan3A_2, %scan3A_3 : i32
    %scan3A_5 = arith.constant 1 : i32
    %scan3A_6 = scf.for %scan3A_15 = %scan3A_2 to %scan3A_4 step %scan3A_5 iter_args(%scan3A_16 = %scan3A) -> (i32)  : i32 {
      %mul3A_17 = arith.constant 16 : i32
      %mul3A_18 = arith.muli %scan3A_15, %mul3A_17 : i32
      %swap3A = arith.index_cast %mul3A_18 : i32 to index
      %swap3A_19 = tpu.vector_load %arg9[%swap3A] {strides = array<i32>} : memref<10000xf32, #tpu.memory_space<vmem>>, vector<16xf32>,
      tpu.vector_store %arg9[%swap3A], %broadcast_in_dim3A_1 {strides = array<i32>} : memref<10000xf32, #tpu.memory_space<vmem>>, vector<16xf32>,
      %scan3A_20 = arith.constant 0 : i32
      scf.yield %scan3A_20 : i32
    }
    %scan3A_7 = arith.constant 625 : i32
    %scan3A_8 = arith.constant 0 : i32
    %scan3A_9 = arith.constant 0 : i32
    %scan3A_10 = arith.constant 125 : i32
    %scan3A_11 = arith.addi %scan3A_9, %scan3A_10 : i32
    %scan3A_12 = arith.constant 1 : i32
    %scan3A_13 = scf.for %scan3A_15 = %scan3A_9 to %scan3A_11 step %scan3A_12 iter_args(%scan3A_16 = %scan3A_8) -> (i32)  : i32 {
      %get3A = arith.index_cast %scan3A_15 : i32 to index
      %get3A_17 = arith.constant 0 : index
      %get3A_18 = tpu.vector_load %arg7[%get3A, %get3A_17] {strides = array<i32>} : memref<125x80xi32, #tpu.memory_space<vmem>>, vector<16xi32>,
      %get3A_19 = arith.index_cast %scan3A_15 : i32 to index
      %get3A_20 = arith.constant 0 : index
      %get3A_21 = tpu.vector_load %arg6[%get3A_19, %get3A_20] {strides = array<i32>} : memref<125x80xi32, #tpu.memory_space<vmem>>, vector<16xi32>,
      %gather3A = tpu.vector_load_idx %arg8[%get3A_18] : memref<10000xf32, #tpu.memory_space<vmem>>[vector<16xi32>], vector<16xf32>,
      tpu.vector_store_idx %arg9[%get3A_21], %gather3A {add = true} : memref<10000xf32, #tpu.memory_space<vmem>>[vector<16xi32>], vector<16xf32>,
      %get3A_22 = arith.index_cast %scan3A_15 : i32 to index
      %get3A_23 = arith.constant 16 : index
      %get3A_24 = tpu.vector_load %arg7[%get3A_22, %get3A_23] {strides = array<i32>} : memref<125x80xi32, #tpu.memory_space<vmem>>, vector<16xi32>,
      %get3A_25 = arith.index_cast %scan3A_15 : i32 to index
      %get3A_26 = arith.constant 16 : index
      %get3A_27 = tpu.vector_load %arg6[%get3A_25, %get3A_26] {strides = array<i32>} : memref<125x80xi32, #tpu.memory_space<vmem>>, vector<16xi32>,
      %gather3A_28 = tpu.vector_load_idx %arg8[%get3A_24] : memref<10000xf32, #tpu.memory_space<vmem>>[vector<16xi32>], vector<16xf32>,
      tpu.vector_store_idx %arg9[%get3A_27], %gather3A_28 {add = true} : memref<10000xf32, #tpu.memory_space<vmem>>[vector<16xi32>], vector<16xf32>,
      %get3A_29 = arith.index_cast %scan3A_15 : i32 to index
      %get3A_30 = arith.constant 32 : index
      %get3A_31 = tpu.vector_load %arg7[%get3A_29, %get3A_30] {strides = array<i32>} : memref<125x80xi32, #tpu.memory_space<vmem>>, vector<16xi32>,
      %get3A_32 = arith.index_cast %scan3A_15 : i32 to index
      %get3A_33 = arith.constant 32 : index
      %get3A_34 = tpu.vector_load %arg6[%get3A_32, %get3A_33] {strides = array<i32>} : memref<125x80xi32, #tpu.memory_space<vmem>>, vector<16xi32>,
      %gather3A_35 = tpu.vector_load_idx %arg8[%get3A_31] : memref<10000xf32, #tpu.memory_space<vmem>>[vector<16xi32>], vector<16xf32>,
      tpu.vector_store_idx %arg9[%get3A_34], %gather3A_35 {add = true} : memref<10000xf32, #tpu.memory_space<vmem>>[vector<16xi32>], vector<16xf32>,
      %get3A_36 = arith.index_cast %scan3A_15 : i32 to index
      %get3A_37 = arith.constant 48 : index
      %get3A_38 = tpu.vector_load %arg7[%get3A_36, %get3A_37] {strides = array<i32>} : memref<125x80xi32, #tpu.memory_space<vmem>>, vector<16xi32>,
      %get3A_39 = arith.index_cast %scan3A_15 : i32 to index
      %get3A_40 = arith.constant 48 : index
      %get3A_41 = tpu.vector_load %arg6[%get3A_39, %get3A_40] {strides = array<i32>} : memref<125x80xi32, #tpu.memory_space<vmem>>, vector<16xi32>,
      %gather3A_42 = tpu.vector_load_idx %arg8[%get3A_38] : memref<10000xf32, #tpu.memory_space<vmem>>[vector<16xi32>], vector<16xf32>,
      tpu.vector_store_idx %arg9[%get3A_41], %gather3A_42 {add = true} : memref<10000xf32, #tpu.memory_space<vmem>>[vector<16xi32>], vector<16xf32>,
      %get3A_43 = arith.index_cast %scan3A_15 : i32 to index
      %get3A_44 = arith.constant 64 : index
      %get3A_45 = tpu.vector_load %arg7[%get3A_43, %get3A_44] {strides = array<i32>} : memref<125x80xi32, #tpu.memory_space<vmem>>, vector<16xi32>,
      %get3A_46 = arith.index_cast %scan3A_15 : i32 to index
      %get3A_47 = arith.constant 64 : index
      %get3A_48 = tpu.vector_load %arg6[%get3A_46, %get3A_47] {strides = array<i32>} : memref<125x80xi32, #tpu.memory_space<vmem>>, vector<16xi32>,
      %gather3A_49 = tpu.vector_load_idx %arg8[%get3A_45] : memref<10000xf32, #tpu.memory_space<vmem>>[vector<16xi32>], vector<16xf32>,
      tpu.vector_store_idx %arg9[%get3A_48], %gather3A_49 {add = true} : memref<10000xf32, #tpu.memory_space<vmem>>[vector<16xi32>], vector<16xf32>,
      %scan3A_50 = arith.constant 0 : i32
      scf.yield %scan3A_50 : i32
    }
    %scan3A_14 = arith.constant 125 : i32
    %run_scoped3A = arith.constant 0 : i32
    "tpu.region"() ({
      %run_scoped3A_15 = tpu.sem_alloc : memref<!tpu.dma_semaphore, #tpu.memory_space<semaphore_mem>>
      %dma_start3A = arith.constant 0 : i32
      %dma_start3A_16 = tpu.memref_slice %arg5[%add3A, %run_scoped3A, %dma_start3A] : memref<32x1x10000xf32, #tpu.memory_space<hbm>> -> memref<1x1x10000xf32, #tpu.memory_space<hbm>>
      %dma_start3A_17 = tpu.memref_squeeze %dma_start3A_16 : memref<1x1x10000xf32, #tpu.memory_space<hbm>> -> memref<10000xf32, #tpu.memory_space<hbm>>
      %dma_start3A_18 = arith.constant 0 : i32
      %dma_start3A_19 = tpu.memref_slice %arg5[%add3A, %run_scoped3A, %dma_start3A_18] : memref<32x1x10000xf32, #tpu.memory_space<hbm>> -> memref<1x1x10000xf32, #tpu.memory_space<hbm>>
      %dma_start3A_20 = tpu.memref_squeeze %dma_start3A_19 : memref<1x1x10000xf32, #tpu.memory_space<hbm>> -> memref<10000xf32, #tpu.memory_space<hbm>>
      tpu.enqueue_dma source(%arg9 : memref<10000xf32, #tpu.memory_space<vmem>>) target(%dma_start3A_20 : memref<10000xf32, #tpu.memory_space<hbm>>) target_semaphore(%run_scoped3A_15 : memref<!tpu.dma_semaphore, #tpu.memory_space<semaphore_mem>>)
      %dma_wait3A = arith.constant 0 : i32
      %dma_wait3A_21 = tpu.memref_slice %arg5[%add3A, %run_scoped3A, %dma_wait3A] : memref<32x1x10000xf32, #tpu.memory_space<hbm>> -> memref<1x1x10000xf32, #tpu.memory_space<hbm>>
      %dma_wait3A_22 = tpu.memref_squeeze %dma_wait3A_21 : memref<1x1x10000xf32, #tpu.memory_space<hbm>> -> memref<10000xf32, #tpu.memory_space<hbm>>
      %dma_wait3A_23 = arith.constant 0 : i32
      %dma_wait3A_24 = tpu.memref_slice %arg5[%add3A, %run_scoped3A, %dma_wait3A_23] : memref<32x1x10000xf32, #tpu.memory_space<hbm>> -> memref<1x1x10000xf32, #tpu.memory_space<hbm>>
      %dma_wait3A_25 = tpu.memref_squeeze %dma_wait3A_24 : memref<1x1x10000xf32, #tpu.memory_space<hbm>> -> memref<10000xf32, #tpu.memory_space<hbm>>
      tpu.wait_dma2 semaphore(%run_scoped3A_15 : memref<!tpu.dma_semaphore, #tpu.memory_space<semaphore_mem>>) src(%arg9 : memref<10000xf32, #tpu.memory_space<vmem>>) dst(%dma_wait3A_25 : memref<10000xf32, #tpu.memory_space<hbm>>)
      tpu.yield
    }) : () -> ()
    return
  }
}

module attributes {stable_mosaic.version = 14 : i64} {
  func.func @_tc_prep_body(%arg0: memref<32x10000xf32, #tpu.memory_space<vmem>>, %arg1: memref<10000x128xf32, #tpu.memory_space<vmem>>, %arg2: memref<128x128xf32, #tpu.memory_space<vmem>>, %arg3: memref<1x10000xf32, #tpu.memory_space<vmem>>, %arg4: memref<10000x128xf32, #tpu.memory_space<vmem>>) attributes {dimension_semantics = [], scalar_prefetch = 0 : i64, scratch_operands = 0 : i64, tpu.core_type = #tpu.core_type<tc>} {
    %get3A = arith.constant 0 : index
    %get3A_0 = arith.constant 0 : index
    %get3A_1 = vector.load %arg0[%get3A, %get3A_0] : memref<32x10000xf32, #tpu.memory_space<vmem>>, vector<32x10000xf32>
    %reduce_sum3A = arith.constant dense<0.000000e+00> : vector<10000xf32>
    %reduce_sum3A_2 = vector.multi_reduction <add>, %get3A_1, %reduce_sum3A [0] : vector<32x10000xf32> to vector<10000xf32>
    %broadcast_in_dim3A = vector.shape_cast %reduce_sum3A_2 : vector<10000xf32> to vector<1x10000xf32>
    %add3A = arith.constant 1.000000e+00 : f32
    %add3A_3 = vector.broadcast %add3A : f32 to vector<1x10000xf32>
    %add3A_4 = arith.addf %broadcast_in_dim3A, %add3A_3 : vector<1x10000xf32>
    %max3A = arith.constant 1.000000e+00 : f32
    %max3A_5 = vector.broadcast %max3A : f32 to vector<1x10000xf32>
    %max3A_6 = arith.maximumf %add3A_4, %max3A_5 : vector<1x10000xf32>
    %rsqrt3A = math.rsqrt %max3A_6 : vector<1x10000xf32>
    %swap3A = arith.constant 0 : index
    %swap3A_7 = arith.constant 0 : index
    %swap3A_8 = vector.load %arg3[%swap3A, %swap3A_7] : memref<1x10000xf32, #tpu.memory_space<vmem>>, vector<1x10000xf32>
    tpu.vector_store %arg3[%swap3A, %swap3A_7], %rsqrt3A {strides = array<i32>} : memref<1x10000xf32, #tpu.memory_space<vmem>>, vector<1x10000xf32>,
    %get3A_9 = arith.constant 0 : index
    %get3A_10 = arith.constant 0 : index
    %get3A_11 = vector.load %arg1[%get3A_9, %get3A_10] : memref<10000x128xf32, #tpu.memory_space<vmem>>, vector<10000x128xf32>
    %get3A_12 = arith.constant 0 : index
    %get3A_13 = arith.constant 0 : index
    %get3A_14 = vector.load %arg2[%get3A_12, %get3A_13] : memref<128x128xf32, #tpu.memory_space<vmem>>, vector<128x128xf32>
    %dot_general3A = arith.constant dense<0.000000e+00> : vector<10000x128xf32>
    %dot_general3A_15 = tpu.matmul %get3A_11, %get3A_14, %dot_general3A {dimension_numbers = #tpu.dot_dimension_numbers<[1], [0], [0], [1], [0, 0, 1, 1], [], []>, transpose_lhs_hint = false} : vector<10000x128xf32>, vector<128x128xf32>, vector<10000x128xf32> -> vector<10000x128xf32>
    %transpose3A = tpu.transpose %rsqrt3A, [1, 0] : vector<1x10000xf32> -> vector<10000x1xf32>
    %mul3A = vector.broadcast %transpose3A : vector<10000x1xf32> to vector<10000x128xf32>
    %mul3A_16 = arith.mulf %dot_general3A_15, %mul3A : vector<10000x128xf32>
    %swap3A_17 = arith.constant 0 : index
    %swap3A_18 = arith.constant 0 : index
    %swap3A_19 = vector.load %arg4[%swap3A_17, %swap3A_18] : memref<10000x128xf32, #tpu.memory_space<vmem>>, vector<10000x128xf32>
    tpu.vector_store %arg4[%swap3A_17, %swap3A_18], %mul3A_16 {strides = array<i32>} : memref<10000x128xf32, #tpu.memory_space<vmem>>, vector<10000x128xf32>,
    return
  }
}

module attributes {stable_mosaic.version = 14 : i64} {
  func.func @_tc_fin_body(%arg0: memref<10000x128xf32, #tpu.memory_space<vmem>>, %arg1: memref<10000x128xf32, #tpu.memory_space<vmem>>, %arg2: memref<32x10000xf32, #tpu.memory_space<vmem>>, %arg3: memref<10000x128xf32, #tpu.memory_space<vmem>>, %arg4: memref<1x10000xf32, #tpu.memory_space<vmem>>, %arg5: memref<1x128xf32, #tpu.memory_space<vmem>>, %arg6: memref<128x128xf32, #tpu.memory_space<vmem>>, %arg7: memref<1x128xf32, #tpu.memory_space<vmem>>, %arg8: memref<256x3xf32, #tpu.memory_space<vmem>>, %arg9: memref<1x3xf32, #tpu.memory_space<vmem>>, %arg10: memref<1x128xf32, #tpu.memory_space<vmem>>, %arg11: memref<1x3xf32, #tpu.memory_space<vmem>>) attributes {dimension_semantics = [], scalar_prefetch = 0 : i64, scratch_operands = 0 : i64, tpu.core_type = #tpu.core_type<tc>} {
    %get3A = arith.constant 0 : index
    %get3A_0 = arith.constant 0 : index
    %get3A_1 = vector.load %arg4[%get3A, %get3A_0] : memref<1x10000xf32, #tpu.memory_space<vmem>>, vector<1x10000xf32>
    %get3A_2 = arith.constant 0 : index
    %get3A_3 = arith.constant 0 : index
    %get3A_4 = vector.load %arg2[%get3A_2, %get3A_3] : memref<32x10000xf32, #tpu.memory_space<vmem>>, vector<32x10000xf32>
    %reduce_sum3A = arith.constant dense<0.000000e+00> : vector<10000xf32>
    %reduce_sum3A_5 = vector.multi_reduction <add>, %get3A_4, %reduce_sum3A [0] : vector<32x10000xf32> to vector<10000xf32>
    %broadcast_in_dim3A = vector.shape_cast %reduce_sum3A_5 : vector<10000xf32> to vector<1x10000xf32>
    %add3A = arith.addf %get3A_1, %broadcast_in_dim3A : vector<1x10000xf32>
    %mul3A = arith.mulf %get3A_1, %add3A : vector<1x10000xf32>
    %get3A_6 = arith.constant 0 : index
    %get3A_7 = arith.constant 0 : index
    %get3A_8 = vector.load %arg0[%get3A_6, %get3A_7] : memref<10000x128xf32, #tpu.memory_space<vmem>>, vector<10000x128xf32>
    %get3A_9 = arith.constant 0 : index
    %get3A_10 = arith.constant 0 : index
    %get3A_11 = vector.load %arg1[%get3A_9, %get3A_10] : memref<10000x128xf32, #tpu.memory_space<vmem>>, vector<10000x128xf32>
    %add3A_12 = arith.addf %get3A_8, %get3A_11 : vector<10000x128xf32>
    %get3A_13 = arith.constant 0 : index
    %get3A_14 = arith.constant 0 : index
    %get3A_15 = vector.load %arg3[%get3A_13, %get3A_14] : memref<10000x128xf32, #tpu.memory_space<vmem>>, vector<10000x128xf32>
    %add3A_16 = arith.addf %add3A_12, %get3A_15 : vector<10000x128xf32>
    %transpose3A = tpu.transpose %get3A_1, [1, 0] : vector<1x10000xf32> -> vector<10000x1xf32>
    %mul3A_17 = vector.broadcast %transpose3A : vector<10000x1xf32> to vector<10000x128xf32>
    %mul3A_18 = arith.mulf %mul3A_17, %add3A_16 : vector<10000x128xf32>
    %get3A_19 = arith.constant 0 : index
    %get3A_20 = arith.constant 0 : index
    %get3A_21 = vector.load %arg5[%get3A_19, %get3A_20] : memref<1x128xf32, #tpu.memory_space<vmem>>, vector<1x128xf32>
    %add3A_22 = vector.broadcast %get3A_21 : vector<1x128xf32> to vector<10000x128xf32>
    %add3A_23 = arith.addf %mul3A_18, %add3A_22 : vector<10000x128xf32>
    %max3A = arith.constant 0.000000e+00 : f32
    %max3A_24 = vector.broadcast %max3A : f32 to vector<10000x128xf32>
    %max3A_25 = arith.maximumf %add3A_23, %max3A_24 : vector<10000x128xf32>
    %dot_general3A = arith.constant dense<0.000000e+00> : vector<1x128xf32>
    %dot_general3A_26 = tpu.matmul %mul3A, %max3A_25, %dot_general3A {dimension_numbers = #tpu.dot_dimension_numbers<[1], [0], [0], [1], [0, 0, 1, 1], [], []>, transpose_lhs_hint = false} : vector<1x10000xf32>, vector<10000x128xf32>, vector<1x128xf32> -> vector<1x128xf32>
    %mul3A_27 = arith.constant 9.99999974E-5 : f32
    %mul3A_28 = vector.broadcast %mul3A_27 : f32 to vector<1x128xf32>
    %mul3A_29 = arith.mulf %dot_general3A_26, %mul3A_28 : vector<1x128xf32>
    %get3A_30 = arith.constant 0 : index
    %get3A_31 = arith.constant 0 : index
    %get3A_32 = vector.load %arg6[%get3A_30, %get3A_31] : memref<128x128xf32, #tpu.memory_space<vmem>>, vector<128x128xf32>
    %dot_general3A_33 = arith.constant dense<0.000000e+00> : vector<1x128xf32>
    %dot_general3A_34 = tpu.matmul %mul3A_29, %get3A_32, %dot_general3A_33 {dimension_numbers = #tpu.dot_dimension_numbers<[1], [0], [0], [1], [0, 0, 1, 1], [], []>, transpose_lhs_hint = false} : vector<1x128xf32>, vector<128x128xf32>, vector<1x128xf32> -> vector<1x128xf32>
    %get3A_35 = arith.constant 0 : index
    %get3A_36 = arith.constant 0 : index
    %get3A_37 = vector.load %arg7[%get3A_35, %get3A_36] : memref<1x128xf32, #tpu.memory_space<vmem>>, vector<1x128xf32>
    %add3A_38 = arith.addf %dot_general3A_34, %get3A_37 : vector<1x128xf32>
    %get3A_39 = arith.constant 0 : index
    %get3A_40 = arith.constant 0 : index
    %get3A_41 = vector.load %arg10[%get3A_39, %get3A_40] : memref<1x128xf32, #tpu.memory_space<vmem>>, vector<1x128xf32>
    %concatenate3A = tpu.concatenate %add3A_38, %get3A_41 in 1 : vector<1x128xf32>, vector<1x128xf32> -> vector<1x256xf32>
    %get3A_42 = arith.constant 0 : index
    %get3A_43 = arith.constant 0 : index
    %get3A_44 = vector.load %arg8[%get3A_42, %get3A_43] : memref<256x3xf32, #tpu.memory_space<vmem>>, vector<256x3xf32>
    %dot_general3A_45 = arith.constant dense<0.000000e+00> : vector<1x3xf32>
    %dot_general3A_46 = tpu.matmul %concatenate3A, %get3A_44, %dot_general3A_45 {dimension_numbers = #tpu.dot_dimension_numbers<[1], [0], [0], [1], [0, 0, 1, 1], [], []>, transpose_lhs_hint = false} : vector<1x256xf32>, vector<256x3xf32>, vector<1x3xf32> -> vector<1x3xf32>
    %get3A_47 = arith.constant 0 : index
    %get3A_48 = arith.constant 0 : index
    %get3A_49 = vector.load %arg9[%get3A_47, %get3A_48] : memref<1x3xf32, #tpu.memory_space<vmem>>, vector<1x3xf32>
    %add3A_50 = arith.addf %dot_general3A_46, %get3A_49 : vector<1x3xf32>
    %swap3A = arith.constant 0 : index
    %swap3A_51 = arith.constant 0 : index
    %swap3A_52 = vector.load %arg11[%swap3A, %swap3A_51] : memref<1x3xf32, #tpu.memory_space<vmem>>, vector<1x3xf32>
    tpu.vector_store %arg11[%swap3A, %swap3A_51], %add3A_50 {strides = array<i32>} : memref<1x3xf32, #tpu.memory_space<vmem>>, vector<1x3xf32>,
    return
  }
}

</mosaic_0001>

<sc_bundles>
// kernel: kernel.10.cloned.1.call-start
scs
__scs_entry_jumppad:
0x0: {  	(pc) =	sbr.rel $0x88, $3  }
0x1: {  	(tag) =	ssettag $0x0;
	lr =	simm.s32 $0x1  }
0x2: {  	[smem:$0x3F98] =	sst lr;
	_ =	strace $0xD0000000  }
0x3: {  	_ = 	snop  }
0x4: {  	_ = 	snop  }
0x5: {  	_ = 	snop  }
0x6: {  	_ = 	snop  }
0x7: {  	_ = 	snop  }
__scs_overlays_trampoline_lowered:
0x8: {  	[smem:$0x3FA7] =	sst s0  }
0x9: {  	[smem:$0x3FA8] =	sst s1  }
0xa: {  	[smem:$0x3FA9] =	sst s2  }
0xb: {  	[smem:$0x3FAA] =	sst s3  }
0xc: {  	[smem:$0x3FAB] =	sst s4  }
0xd: {  	[smem:$0x3FAC] =	sst s5  }
0xe: {  	[smem:$0x3FAD] =	sst s6  }
0xf: {  	[smem:$0x3FAE] =	sst s7  }
0x10: {  	[smem:$0x3FAF] =	sst s8  }
0x11: {  	[smem:$0x3FB0] =	sst s9;
	s0 =	simm.s32 @!p0 $0x0  }
0x12: {  	s1 =	sld [smem:$0x3F96];
	s0 =	simm.s32 @p0 $0x1  }
0x13: {  	[smem:$0x3FB1] =	sst s0;
	s0 =	simm.s32 @!p1 $0x0  }
0x14: {  	s2 =	sld [smem:$0x3F95];
	s0 =	simm.s32 @p1 $0x1  }
0x15: {  	[smem:$0x3FB2] =	sst s0;
	s0 =	simm.s32 @!p2 $0x0  }
0x16: {  	s3 =	sld [smem:$0x3FDB];
	s0 =	simm.s32 @p2 $0x1  }
0x17: {  	s4 =	simm.s32 $0x1BF5;
	[smem:$0x3FB4] =	sst s0  }
0x18: {  	s0 =	sld [smem:$0x3F97];
	_ =	swait.ge [sflag:s4], $0x0  }
0x19: {  	s7 =	sld [smem:$0x3F98]  }
0x1a: {  	s8 =	sadd.s32 $0xFFFFE003, lr  }
0x1b: {  	s9 =	sadd.s32 $0xFFFFFEF7, lr;
	s5 =	simm.s32 $0xFFFFFFFF;
	p2 =	slt.u32 s8, $0xFFFFF086  }
0x1c: {  	p1 =	slt.u32 s9, $0xF7A;
	s5 =	simm.s32 @!p2 $0x0  }
0x1d: {  	s5 =	simm.s32 @p1 $0x1;
	p0 =	seq.s32 s7, s2  }
0x1e: {  	s7 =	smul.u32 @!p0 $0xF7A, s2;
	p2 =	seq.s32 @!p0 s5, $0x0  }
0x1f: {  	s9 =	smul.u32 $0xF7A, s1;
	s8 =	simm.s32 @!p0 $0x1BF5;
	p2 =	por !p2, p0  }
0x20: {  	[sflag:s8] =	ssyncset.s32 @!p0 $0xFFFFF086;
	s6 =	sadd.s32 @!p0 s3, s7;
	s7 =	simm.s32 @!p0 $0x108  }
0x21: {  	s3 =	sadd.s32 s3, s9;
	s6 =	sadd.s32 @!p0 $0x88, s6;
	s7 =	simm.s32 @p2 $0x1082  }
0x22: {  	[simem:s7], [sflag:s8] =	dma.local @!p0 [hbm:s6], $0xF7A  }
0x23: {  	s9 =	sor.u32 $0xD0000000, s2;
	s6 =	simm.s32 $0x108;
	_ =	swait.ge @!p0 [sflag:s8], $0x0  }
0x24: {  	s3 =	sadd.s32 $0x88, s3;
	s6 =	simm.s32 @!p1 $0x1082;
	[sflag:s4] =	ssyncset.s32 $0xFFFFF086  }
0x25: {  	[simem:s6], [sflag:s4] =	dma.local [hbm:s3], $0xF7A  }
0x26: {  	[smem:$0x3F98] =	sst s1;
	(tag) =	ssettag s2;
	_ =	strace s9  }
0x27: {  	s1 =	sld [smem:$0x3FA8]  }
0x28: {  	s2 =	sld [smem:$0x3FA9]  }
0x29: {  	s4 =	sld [smem:$0x3FAB]  }
0x2a: {  	p0 =	seq.s32 s5, $0x0;
	s5 =	sld [smem:$0x3FAC]  }
0x2b: {  	s6 =	sld [smem:$0x3FAD]  }
0x2c: {  	s7 =	sld [smem:$0x3FAE]  }
0x2d: {  	s3 =	simm.s32 $0x108;
	s8 =	sld [smem:$0x3FAF]  }
0x2e: {  	s3 =	simm.s32 @!p0 $0x1082;
	s9 =	sld [smem:$0x3FB0]  }
0x2f: {  	lr =	sadd.s32 s0, s3;
	s0 =	sld [smem:$0x3FA7]  }
0x30: {  	s3 =	sld [smem:$0x3FAA]  }
0x31: {  	[smem:$0x3FB3] =	sst s10  }
0x32: {  	s10 =	sld [smem:$0x3FB1];
	_ =	sdelay $0x3  }
0x33: {  	p0 =	seq.s32 s10, $0x1;
	s10 =	sld [smem:$0x3FB3];
	_ =	sdelay $0x3  }
0x34: {  	[smem:$0x3FB3] =	sst s10  }
0x35: {  	s10 =	sld [smem:$0x3FB2];
	_ =	sdelay $0x3  }
0x36: {  	p1 =	seq.s32 s10, $0x1;
	s10 =	sld [smem:$0x3FB3];
	_ =	sdelay $0x3  }
0x37: {  	[smem:$0x3FB3] =	sst s10  }
0x38: {  	s10 =	sld [smem:$0x3FB4]  }
0x39: {  	_ = 	snop;
	(pc) =	sbr.ind lr, $3  }
0x3a: {  	_ = 	snop  }
0x3b: {  	_ = 	snop  }
0x3c: {  	p2 =	seq.s32 s10, $0x1;
	s10 =	sld [smem:$0x3FB3]  }
0x3d: {  	_ =	shalt  }
0x3e: {  	_ =	shalt  }
0x3f: {  	_ =	shalt  }
0x40: {  	_ =	shalt  }
0x41: {  	_ =	shalt  }
0x42: {  	_ =	shalt  }
0x43: {  	_ =	shalt  }
0x44: {  	_ =	shalt  }
0x45: {  	_ =	shalt  }
0x46: {  	_ =	shalt  }
0x47: {  	_ =	shalt  }
0x48: {  	_ =	shalt  }
0x49: {  	_ =	shalt  }
0x4a: {  	_ =	shalt  }
0x4b: {  	_ =	shalt  }
0x4c: {  	_ =	shalt  }
0x4d: {  	_ =	shalt  }
0x4e: {  	_ =	shalt  }
0x4f: {  	_ =	shalt  }
0x50: {  	_ =	shalt  }
0x51: {  	_ =	shalt  }
0x52: {  	_ =	shalt  }
0x53: {  	_ =	shalt  }
0x54: {  	_ =	shalt  }
0x55: {  	_ =	shalt  }
0x56: {  	_ =	shalt  }
0x57: {  	_ =	shalt  }
0x58: {  	_ =	shalt  }
0x59: {  	_ =	shalt  }
0x5a: {  	_ =	shalt  }
0x5b: {  	_ =	shalt  }
0x5c: {  	_ =	shalt  }
0x5d: {  	_ =	shalt  }
0x5e: {  	_ =	shalt  }
0x5f: {  	_ =	shalt  }
0x60: {  	_ =	shalt  }
0x61: {  	_ =	shalt  }
0x62: {  	_ =	shalt  }
0x63: {  	_ =	shalt  }
0x64: {  	_ =	shalt  }
0x65: {  	_ =	shalt  }
0x66: {  	_ =	shalt  }
0x67: {  	_ =	shalt  }
0x68: {  	_ =	shalt  }
0x69: {  	_ =	shalt  }
0x6a: {  	_ =	shalt  }
0x6b: {  	_ =	shalt  }
0x6c: {  	_ =	shalt  }
0x6d: {  	_ =	shalt  }
0x6e: {  	_ =	shalt  }
0x6f: {  	_ =	shalt  }
0x70: {  	_ =	shalt  }
0x71: {  	_ =	shalt  }
0x72: {  	_ =	shalt  }
0x73: {  	_ =	shalt  }
0x74: {  	_ =	shalt  }
0x75: {  	_ =	shalt  }
0x76: {  	_ =	shalt  }
0x77: {  	_ =	shalt  }
0x78: {  	_ =	shalt  }
0x79: {  	_ =	shalt  }
0x7a: {  	_ =	shalt  }
0x7b: {  	_ =	shalt  }
0x7c: {  	_ =	shalt  }
0x7d: {  	_ =	shalt  }
0x7e: {  	_ =	shalt  }
0x7f: {  	_ =	shalt  }
0x80: {  	_ =	shalt  }
0x81: {  	_ =	shalt  }
0x82: {  	_ =	shalt  }
0x83: {  	_ =	shalt  }
0x84: {  	_ =	shalt  }
0x85: {  	_ =	shalt  }
0x86: {  	_ =	shalt  }
0x87: {  	_ =	shalt  }
.Lfunc_end0:
.L_simem_size_0:
called_computation.1_lowered:
.L_overlay_start_0:
0x88: {  	s2 =	sld [smem:$0x3FD9]  }
0x89: {  	s3 =	sld [smem:$0x3FFE];
	_ =	sdelay $0x1  }
0x8a: {  	s1 =	srdreg.scid  }
0x8b: {  	s0 =	sand.u32 $0x1, s1  }
0x8c: {  	s16 =	sshll.u32 s0, $0xA;
	s2 =	sadd.s32 s3, s2  }
0x8d: {  	s2 =	sadd.s32 s2, s16  }
0x8e: {  	[smem:$0x3FBF] =	sst s2  }
0x8f: {  	_ = 	snop  }
0x90: {  	(tm) =	ssettm $0x1  }
0x91: {  	s17 =	sld [smem:$0x3FFB];
	_ =	sdelay $0x3  }
0x92: {  	_ =	strace s17  }
0x93: {  	s2 =	sld [smem:$0x3FFC];
	_ =	sdelay $0x3  }
0x94: {  	_ =	strace s2  }
0x95: {  	s2 =	sld [smem:$0x3FFD];
	_ =	sdelay $0x3  }
0x96: {  	_ =	strace s2  }
0x97: {  	_ =	strace $0x8FFFFFFF  }
0x98: {  	s18 =	sld [smem:$0x3FDB];
	_ =	sdelay $0x1  }
0x99: {  	s19 =	simm.s32 $_scs_section_size  }
0x9a: {  	s4 =	simm.s32 $_size__tile_overlayer_lowered;
	s5 =	simm.s32 $_tile_overlayer_lowered  }
0x9b: {  	s22 =	simm.s32 $0x1BFF;
	s21 =	sshll.u32 s5, $0x1;
	s2 =	sadd.s32 s19, s18  }
0x9c: {  	s6 =	simm.s32 $0x0;
	s20 =	sshll.u32 s4, $0x1;
	s4 =	sadd.s32 s21, s2  }
0x9d: {  	[timem:s6], [sflag:s22] =	dma.local [hbm:s4], s20  }
0x9e: {  	_ =	swait.ge [sflag:s22], s20  }
0x9f: {  	s3 =	ssub.s32 $0x0, s20;
	[sflag:s22] =	ssyncset.done $0x0  }
0xa0: {  	[sflag:s22] =	ssyncadd.s32 s3;
	_ =	sdelay $0x1  }
0xa1: {  	s23 =	simm.s32 $0x1B8B  }
0xa2: {  	_ =	swait.ge [sflag:s23], $0x1  }
0xa3: {  	[sflag:s23] =	ssyncset.done $0x0  }
0xa4: {  	s25 =	simm.s32 $0x1B8E;
	s24 =	sld [smem:$0x3FFE];
	[sflag:s23] =	ssyncadd.s32 $0xFFFFFFFF  }
0xa5: {  	s26 =	simm.s32 $execute0_lowered;
	[smem:$0x3FD2] =	sst s25  }
0xa6: {  	s4 =	sshll.u32 s26, $0x1;
	_ =	strace $0x80000049;
	[dreg:$0x1] =	wrdreg $0xFFFFFFFF  }
0xa7: {  	s28 =	simm.s32 $_size_execute0_lowered;
	s2 =	sadd.s32 s2, s4;
	[dreg:$0x0] =	wrdreg $0x0  }
0xa8: {  	s4 =	sshll.u32 s28, $0x1;
	[dreg:$0x2] =	wrdreg s2  }
0xa9: {  	[dreg:$0x3] =	wrdreg s4  }
0xaa: {  	[dreg:$0x4] =	wrdreg $0xC0  }
0xab: {  	_ =	task [dreg:s6], $0x5FFFF  }
0xac: {  	[dreg:$0x1] =	wrdreg $0xFFFFFFFF  }
0xad: {  	[dreg:$0x0] =	wrdreg $0x60  }
0xae: {  	[dreg:$0x2] =	wrdreg s24  }
0xaf: {  	[dreg:$0x3] =	wrdreg $0x9  }
0xb0: {  	_ =	task.clear_ibuf [dreg:s6], $0x4FFFF;
	_ =	strace $0x90000049  }
0xb1: {  	s29 =	simm.s32 $0x9;
	_ =	strace $0x8000004B  }
0xb2: {  	_ =	swait.ge [sflag:s29], $0x1  }
0xb3: {  	[sflag:s29] =	ssyncadd.s32 $0xFFFFFFFF  }
0xb4: {  	_ =	strace $0x9000004B  }
0xb5: {  	_ =	sfence  }
0xb6: {  	s30 =	sld [smem:$0x0];
	_ =	sdelay $0x2  }
0xb7: {  	s31 =	sshll.u32 s1, $0xD;
	s1 =	sshrl.u32 s1, $0x2  }
0xb8: {  	s3 =	sand.u32 $0x4000, s31;
	s1 =	sadd.s32 s1, s30  }
0xb9: {  	s0 =	sor.u32 s3, s0;
	s1 =	sshll.u32 s1, $0x11  }
0xba: {  	s0 =	sor.u32 s1, s0  }
0xbb: {  	s0 =	sadd.s32 $0x8F2B, s0  }
0xbc: {  	[sflag:s0] =	ssyncadd.remote.s32 $0x1  }
0xbd: {  	_ =	sfence.sel $0xFFFF  }
0xbe: {  	[dreg:$0x0] =	wrdreg $0xFFFFFFFF;
	(pc) =	sbr.abs _section_cstart, $3  }
0xbf: {  	[dreg:$0x1] =	wrdreg $0xFFFFFFFF  }
0xc0: {  	_ =	task.clear_ibuf [dreg:s6], $0x2FFFF;
	_ =	strace $0x9FFFFFFF  }
0xc1: {  	(tm) =	ssettm $0x7FFFFFFF  }
tec
execute0_lowered:
.L_overlay_start_1:
0x0: {  	(tag) =	ssettag $0x1  }
0x1: {  	s4 =	rddreg [dreg:$0x0]  }
0x2: {  	s0 =	rddreg [dreg:$0x1];
	s3 =	srdreg.scid  }
0x3: {  	s1 =	stileid.u32;
	s2 =	simm.s32 $0x0;
	s10 =	simm.s32 $0x8000  }
0x4: {  	s11 =	simm.s32 $0xA780;
	s3 =	sand.u32 $0x1, s3;
	s5 =	sshll.u32 s1, $0x1  }
0x5: {  	s12 =	simm.s32 $0x0;
	[smem:$0x7FF] =	sst s2;
	s5 =	sor.u32 s3, s5  }
0x6: {  	s7 =	ssub.s32 $0x2, s3;
	_ =	strace $0x8000004A;
	s3 =	sadd.s32 $0x12200, s4  }
0x7: {  	s6 =	sshll.u32 s5, $0xB;
	s5 =	smul.u32 $0x4F0, s5;
	s8 =	sshrl.u32 s7, $0x1  }
0x8: {  	s6 =	sadd.s32 s6, s4;
	s7 =	ssub.s32 s7, s8;
	s8 =	simm.s32 $0x1  }
0x9: {  	s9 =	sadd.s32 s5, s4;
	s4 =	sadd.s32 $0x1C000, s6;
	s5 =	sadd.s32 $0x2200, s6  }
0xa: {  	v0 =	vimm.f32 $0.0e+00;
	s7 =	smax.u32 s7, $0x1;
	s6 =	sadd.s32 $0x53200, s9;
	s9 =	simm.s32 $0x4000  }
.LBB2_1:
0xb: {  	[tilespmem:s2], [sflag:$0x1] =	stream.linear.gather [hbm4b:s4+s2], $0x3E80, $0x38;
	[tilespmem:$0xCF00] =	vst v63  }
0xc: {  	_ =	swait.ge [sflag:s8], $0x3E80  }
0xd: {  	[sflag:s8] =	ssyncset.done $0x0  }
0xe: {  	[sflag:s8] =	ssyncadd.s32 $0xFFFFC180  }
0xf: {  	[tilespmem:s9], [sflag:$0x1] =	stream.linear.gather [hbm4b:s5+s2], $0x3E80, $0x38;
	[tilespmem:$0xCF00] =	vst v63  }
0x10: {  	_ =	swait.ge [sflag:s8], $0x3E80  }
0x11: {  	[sflag:s8] =	ssyncset.done $0x0  }
0x12: {  	[sflag:s8] =	ssyncadd.s32 $0xFFFFC180  }
0x13: {  	[tilespmem:s10], [sflag:$0x1] =	stream.linear.gather [hbm4b:s3+s2], $0x2780, $0x38;
	[tilespmem:$0xCF00] =	vst v63  }
0x14: {  	_ =	swait.ge [sflag:s8], $0x2780  }
0x15: {  	[sflag:s8] =	ssyncset.done $0x0  }
0x16: {  	s13 =	simm.s32 $0x0;
	[sflag:s8] =	ssyncadd.s32 $0xFFFFD880  }
.LBB2_2:
0x17: {  	p0 =	sne.s32 s13, $0x9C00  }
.Ltmp0:
0x18: {  	_ = 	snop;
	(pc) =	sbr.rel @p0 .LBB2_2-.Ltmp0, $3  }
0x19: {  	_ =	sdelay $0x1  }
0x1a: {  	s14 =	sshra.s32 s13, $0x2  }
0x1b: {  	s13 =	sadd.s32 $0x40, s13;
	[tilespmem:s14+$0xA780] =	vst v0  }
0x1c: {  	s13 =	simm.s32 $0x0  }
.LBB2_4:
0x1d: {  	s14 =	sshra.s32 s13, $0x2  }
0x1e: {  	v1 =	vld [tilespmem:s14+$0x4000];
	_ =	sdelay $0x4  }
0x1f: {  	v2 =	vld [tilespmem:s14+$0x0];
	_ =	sdelay $0x2  }
0x20: {  	v1 =	vld.idx.msk [tilespmem:v1+s10+$0x0], $0xffff;
	_ =	sdelay $0x4  }
0x21: {  	[tilespmem:v2+s11+$0x0] =	vst.idx.add.f32.msk $0xffff, v1  }
0x22: {  	v1 =	vld [tilespmem:s14+$0x4010];
	_ =	sdelay $0x4  }
0x23: {  	v2 =	vld [tilespmem:s14+$0x10];
	_ =	sdelay $0x2  }
0x24: {  	v1 =	vld.idx.msk [tilespmem:v1+s10+$0x0], $0xffff;
	_ =	sdelay $0x4  }
0x25: {  	[tilespmem:v2+s11+$0x0] =	vst.idx.add.f32.msk $0xffff, v1  }
0x26: {  	v1 =	vld [tilespmem:s14+$0x4020];
	_ =	sdelay $0x4  }
0x27: {  	v2 =	vld [tilespmem:s14+$0x20];
	_ =	sdelay $0x2  }
0x28: {  	v1 =	vld.idx.msk [tilespmem:v1+s10+$0x0], $0xffff;
	_ =	sdelay $0x4  }
0x29: {  	[tilespmem:v2+s11+$0x0] =	vst.idx.add.f32.msk $0xffff, v1  }
0x2a: {  	v1 =	vld [tilespmem:s14+$0x4030];
	_ =	sdelay $0x4  }
0x2b: {  	v2 =	vld [tilespmem:s14+$0x30];
	_ =	sdelay $0x2  }
0x2c: {  	v1 =	vld.idx.msk [tilespmem:v1+s10+$0x0], $0xffff;
	_ =	sdelay $0x4  }
0x2d: {  	[tilespmem:v2+s11+$0x0] =	vst.idx.add.f32.msk $0xffff, v1  }
0x2e: {  	v1 =	vld [tilespmem:s14+$0x4040];
	_ =	sdelay $0x4  }
0x2f: {  	v2 =	vld [tilespmem:s14+$0x40];
	_ =	sdelay $0x2  }
0x30: {  	p0 =	sne.s32 s13, $0xF800;
	v1 =	vld.idx.msk [tilespmem:v1+s10+$0x0], $0xffff  }
.Ltmp1:
0x31: {  	_ = 	snop;
	(pc) =	sbr.rel @p0 .LBB2_4-.Ltmp1, $2  }
0x32: {  	_ =	sdelay $0x2  }
0x33: {  	s13 =	sadd.s32 $0x200, s13;
	[tilespmem:v2+s11+$0x0] =	vst.idx.add.f32.msk $0xffff, v1  }
0x34: {  	s12 =	sadd.s32 $0x1, s12  }
0x35: {  	p0 =	sne.s32 s12, s7  }
.Ltmp2:
0x36: {  	_ = 	snop;
	(pc) =	sbr.rel @p0 .LBB2_1-.Ltmp2, $4  }
0x37: {  	[hbm4b:s6+s2] =	stream.linear.scatter [tilespmem:s11], [sflag:$0x1], $0x2780, $0x38;
	[tilespmem:$0xCF00] =	vst v63  }
0x38: {  	_ =	swait.ge [sflag:s8], $0x2780  }
0x39: {  	[sflag:s8] =	ssyncset.done $0x0  }
0x3a: {  	[sflag:s8] =	ssyncadd.s32 $0xFFFFD880  }
0x3b: {  	_ =	sfence.sel $0x180000  }
0x3c: {  	[bflag:$0x0] =	sbarrier.arrive $0xFFFF  }
0x3d: {  	p0 =	sne.s32 s1, $0x0;
	_ =	strace $0x9000004A  }
0x3e: {  	s0 =	sadd.s32 @!p0 $0x100000, s0;
	[bflag:$0x2] =	sbarrier.arrive $0xFFFF  }
0x3f: {  	[sflag:s0] =	ssyncadd.tile.s32 @!p0 $0x1;
	_ =	shalt  }
.Lfunc_end2:
_tile_overlayer_lowered:
.L_overlay_start_2:
0x40: {  	(tag) =	ssettag $0x2  }
0x41: {  	s0 =	rddreg [dreg:$0x0];
	s2 =	stileid.u32  }
0x42: {  	s1 =	rddreg [dreg:$0x1];
	p0 =	sne.s32 s2, $0x0  }
0x43: {  	s3 =	rddreg [dreg:$0x2];
	[bflag:$0x3] =	sbarrier.arrive $0xFFFF;
	s2 =	simm.s32 @!p0 $0x1C01  }
0x44: {  	[timem:s3], [sflag:s2] =	dma.local @!p0 [hbm:s0], s1  }
0x45: {  	s0 =	simm.s32 @!p0 $0x1  }
0x46: {  	_ =	swait.ge @!p0 [sflag:s0], s1  }
0x47: {  	s1 =	ssub.s32 @!p0 $0x0, s1;
	[sflag:s0] =	ssyncset.done @!p0 $0x0  }
0x48: {  	[sflag:s0] =	ssyncadd.s32 @!p0 s1  }
0x49: {  	[bflag:$0x3] =	sbarrier.arrive $0xFFFF  }
0x4a: {  	_ =	shalt  }

// kernel: kernel.13.cloned.1.call-start
scs
__scs_entry_jumppad:
0x0: {  	(pc) =	sbr.rel $0x88, $3  }
0x1: {  	(tag) =	ssettag $0x0;
	lr =	simm.s32 $0x1  }
0x2: {  	[smem:$0x3F98] =	sst lr;
	_ =	strace $0xD0000000  }
0x3: {  	_ = 	snop  }
0x4: {  	_ = 	snop  }
0x5: {  	_ = 	snop  }
0x6: {  	_ = 	snop  }
0x7: {  	_ = 	snop  }
__scs_overlays_trampoline_lowered:
0x8: {  	[smem:$0x3FA7] =	sst s0  }
0x9: {  	[smem:$0x3FA8] =	sst s1  }
0xa: {  	[smem:$0x3FA9] =	sst s2  }
0xb: {  	[smem:$0x3FAA] =	sst s3  }
0xc: {  	[smem:$0x3FAB] =	sst s4  }
0xd: {  	[smem:$0x3FAC] =	sst s5  }
0xe: {  	[smem:$0x3FAD] =	sst s6  }
0xf: {  	[smem:$0x3FAE] =	sst s7  }
0x10: {  	[smem:$0x3FAF] =	sst s8  }
0x11: {  	[smem:$0x3FB0] =	sst s9;
	s0 =	simm.s32 @!p0 $0x0  }
0x12: {  	s1 =	sld [smem:$0x3F96];
	s0 =	simm.s32 @p0 $0x1  }
0x13: {  	[smem:$0x3FB1] =	sst s0;
	s0 =	simm.s32 @!p1 $0x0  }
0x14: {  	s2 =	sld [smem:$0x3F95];
	s0 =	simm.s32 @p1 $0x1  }
0x15: {  	[smem:$0x3FB2] =	sst s0;
	s0 =	simm.s32 @!p2 $0x0  }
0x16: {  	s3 =	sld [smem:$0x3FDB];
	s0 =	simm.s32 @p2 $0x1  }
0x17: {  	s4 =	simm.s32 $0x1BF5;
	[smem:$0x3FB4] =	sst s0  }
0x18: {  	s0 =	sld [smem:$0x3F97];
	_ =	swait.ge [sflag:s4], $0x0  }
0x19: {  	s7 =	sld [smem:$0x3F98]  }
0x1a: {  	s8 =	sadd.s32 $0xFFFFE003, lr  }
0x1b: {  	s9 =	sadd.s32 $0xFFFFFEF7, lr;
	s5 =	simm.s32 $0xFFFFFFFF;
	p2 =	slt.u32 s8, $0xFFFFF086  }
0x1c: {  	p1 =	slt.u32 s9, $0xF7A;
	s5 =	simm.s32 @!p2 $0x0  }
0x1d: {  	s5 =	simm.s32 @p1 $0x1;
	p0 =	seq.s32 s7, s2  }
0x1e: {  	s7 =	smul.u32 @!p0 $0xF7A, s2;
	p2 =	seq.s32 @!p0 s5, $0x0  }
0x1f: {  	s9 =	smul.u32 $0xF7A, s1;
	s8 =	simm.s32 @!p0 $0x1BF5;
	p2 =	por !p2, p0  }
0x20: {  	[sflag:s8] =	ssyncset.s32 @!p0 $0xFFFFF086;
	s6 =	sadd.s32 @!p0 s3, s7;
	s7 =	simm.s32 @!p0 $0x108  }
0x21: {  	s3 =	sadd.s32 s3, s9;
	s6 =	sadd.s32 @!p0 $0x88, s6;
	s7 =	simm.s32 @p2 $0x1082  }
0x22: {  	[simem:s7], [sflag:s8] =	dma.local @!p0 [hbm:s6], $0xF7A  }
0x23: {  	s9 =	sor.u32 $0xD0000000, s2;
	s6 =	simm.s32 $0x108;
	_ =	swait.ge @!p0 [sflag:s8], $0x0  }
0x24: {  	s3 =	sadd.s32 $0x88, s3;
	s6 =	simm.s32 @!p1 $0x1082;
	[sflag:s4] =	ssyncset.s32 $0xFFFFF086  }
0x25: {  	[simem:s6], [sflag:s4] =	dma.local [hbm:s3], $0xF7A  }
0x26: {  	[smem:$0x3F98] =	sst s1;
	(tag) =	ssettag s2;
	_ =	strace s9  }
0x27: {  	s1 =	sld [smem:$0x3FA8]  }
0x28: {  	s2 =	sld [smem:$0x3FA9]  }
0x29: {  	s4 =	sld [smem:$0x3FAB]  }
0x2a: {  	p0 =	seq.s32 s5, $0x0;
	s5 =	sld [smem:$0x3FAC]  }
0x2b: {  	s6 =	sld [smem:$0x3FAD]  }
0x2c: {  	s7 =	sld [smem:$0x3FAE]  }
0x2d: {  	s3 =	simm.s32 $0x108;
	s8 =	sld [smem:$0x3FAF]  }
0x2e: {  	s3 =	simm.s32 @!p0 $0x1082;
	s9 =	sld [smem:$0x3FB0]  }
0x2f: {  	lr =	sadd.s32 s0, s3;
	s0 =	sld [smem:$0x3FA7]  }
0x30: {  	s3 =	sld [smem:$0x3FAA]  }
0x31: {  	[smem:$0x3FB3] =	sst s10  }
0x32: {  	s10 =	sld [smem:$0x3FB1];
	_ =	sdelay $0x3  }
0x33: {  	p0 =	seq.s32 s10, $0x1;
	s10 =	sld [smem:$0x3FB3];
	_ =	sdelay $0x3  }
0x34: {  	[smem:$0x3FB3] =	sst s10  }
0x35: {  	s10 =	sld [smem:$0x3FB2];
	_ =	sdelay $0x3  }
0x36: {  	p1 =	seq.s32 s10, $0x1;
	s10 =	sld [smem:$0x3FB3];
	_ =	sdelay $0x3  }
0x37: {  	[smem:$0x3FB3] =	sst s10  }
0x38: {  	s10 =	sld [smem:$0x3FB4]  }
0x39: {  	_ = 	snop;
	(pc) =	sbr.ind lr, $3  }
0x3a: {  	_ = 	snop  }
0x3b: {  	_ = 	snop  }
0x3c: {  	p2 =	seq.s32 s10, $0x1;
	s10 =	sld [smem:$0x3FB3]  }
0x3d: {  	_ =	shalt  }
0x3e: {  	_ =	shalt  }
0x3f: {  	_ =	shalt  }
0x40: {  	_ =	shalt  }
0x41: {  	_ =	shalt  }
0x42: {  	_ =	shalt  }
0x43: {  	_ =	shalt  }
0x44: {  	_ =	shalt  }
0x45: {  	_ =	shalt  }
0x46: {  	_ =	shalt  }
0x47: {  	_ =	shalt  }
0x48: {  	_ =	shalt  }
0x49: {  	_ =	shalt  }
0x4a: {  	_ =	shalt  }
0x4b: {  	_ =	shalt  }
0x4c: {  	_ =	shalt  }
0x4d: {  	_ =	shalt  }
0x4e: {  	_ =	shalt  }
0x4f: {  	_ =	shalt  }
0x50: {  	_ =	shalt  }
0x51: {  	_ =	shalt  }
0x52: {  	_ =	shalt  }
0x53: {  	_ =	shalt  }
0x54: {  	_ =	shalt  }
0x55: {  	_ =	shalt  }
0x56: {  	_ =	shalt  }
0x57: {  	_ =	shalt  }
0x58: {  	_ =	shalt  }
0x59: {  	_ =	shalt  }
0x5a: {  	_ =	shalt  }
0x5b: {  	_ =	shalt  }
0x5c: {  	_ =	shalt  }
0x5d: {  	_ =	shalt  }
0x5e: {  	_ =	shalt  }
0x5f: {  	_ =	shalt  }
0x60: {  	_ =	shalt  }
0x61: {  	_ =	shalt  }
0x62: {  	_ =	shalt  }
0x63: {  	_ =	shalt  }
0x64: {  	_ =	shalt  }
0x65: {  	_ =	shalt  }
0x66: {  	_ =	shalt  }
0x67: {  	_ =	shalt  }
0x68: {  	_ =	shalt  }
0x69: {  	_ =	shalt  }
0x6a: {  	_ =	shalt  }
0x6b: {  	_ =	shalt  }
0x6c: {  	_ =	shalt  }
0x6d: {  	_ =	shalt  }
0x6e: {  	_ =	shalt  }
0x6f: {  	_ =	shalt  }
0x70: {  	_ =	shalt  }
0x71: {  	_ =	shalt  }
0x72: {  	_ =	shalt  }
0x73: {  	_ =	shalt  }
0x74: {  	_ =	shalt  }
0x75: {  	_ =	shalt  }
0x76: {  	_ =	shalt  }
0x77: {  	_ =	shalt  }
0x78: {  	_ =	shalt  }
0x79: {  	_ =	shalt  }
0x7a: {  	_ =	shalt  }
0x7b: {  	_ =	shalt  }
0x7c: {  	_ =	shalt  }
0x7d: {  	_ =	shalt  }
0x7e: {  	_ =	shalt  }
0x7f: {  	_ =	shalt  }
0x80: {  	_ =	shalt  }
0x81: {  	_ =	shalt  }
0x82: {  	_ =	shalt  }
0x83: {  	_ =	shalt  }
0x84: {  	_ =	shalt  }
0x85: {  	_ =	shalt  }
0x86: {  	_ =	shalt  }
0x87: {  	_ =	shalt  }
.Lfunc_end0:
.L_simem_size_0:
called_computation.2_lowered:
.L_overlay_start_0:
0x88: {  	s2 =	sld [smem:$0x3FD9]  }
0x89: {  	s3 =	sld [smem:$0x3FFE];
	_ =	sdelay $0x1  }
0x8a: {  	s1 =	srdreg.scid  }
0x8b: {  	s0 =	sand.u32 $0x1, s1  }
0x8c: {  	s17 =	sshll.u32 s0, $0xA;
	s2 =	sadd.s32 s3, s2  }
0x8d: {  	s2 =	sadd.s32 s2, s17  }
0x8e: {  	[smem:$0x3FBF] =	sst s2  }
0x8f: {  	_ = 	snop  }
0x90: {  	(tm) =	ssettm $0x1  }
0x91: {  	s18 =	sld [smem:$0x3FFB];
	_ =	sdelay $0x3  }
0x92: {  	_ =	strace s18  }
0x93: {  	s2 =	sld [smem:$0x3FFC];
	_ =	sdelay $0x3  }
0x94: {  	_ =	strace s2  }
0x95: {  	s2 =	sld [smem:$0x3FFD];
	_ =	sdelay $0x3  }
0x96: {  	_ =	strace s2  }
0x97: {  	_ =	strace $0x8FFFFFFF  }
0x98: {  	s19 =	sld [smem:$0x3FDB];
	_ =	sdelay $0x1  }
0x99: {  	s20 =	simm.s32 $_scs_section_size  }
0x9a: {  	s4 =	simm.s32 $_size__tile_overlayer_lowered;
	s5 =	simm.s32 $_tile_overlayer_lowered  }
0x9b: {  	s6 =	simm.s32 $0x1BFF;
	s21 =	sshll.u32 s5, $0x1;
	s3 =	sadd.s32 s20, s19  }
0x9c: {  	s22 =	simm.s32 $0x0;
	s4 =	sshll.u32 s4, $0x1;
	s5 =	sadd.s32 s21, s3  }
0x9d: {  	[timem:s22], [sflag:s6] =	dma.local [hbm:s5], s4  }
0x9e: {  	_ =	swait.ge [sflag:s6], s4  }
0x9f: {  	s4 =	ssub.s32 $0x0, s4;
	[sflag:s6] =	ssyncset.done $0x0  }
0xa0: {  	[sflag:s6] =	ssyncadd.s32 s4;
	_ =	sdelay $0x1  }
0xa1: {  	s23 =	simm.s32 $0x1B8B  }
0xa2: {  	_ =	swait.ge [sflag:s23], $0x1  }
0xa3: {  	[sflag:s23] =	ssyncset.done $0x0  }
0xa4: {  	[sflag:s23] =	ssyncadd.s32 $0xFFFFFFFF  }
0xa5: {  	s4 =	sld [smem:$0x0]  }
0xa6: {  	s5 =	sand.u32 $0xFFFFFFFE, s1  }
0xa7: {  	p0 =	sne.s32 s1, s5  }
0xa8: {  	s5 =	sshll.u32 @p0 s5, $0xE  }
0xa9: {  	s5 =	sadd.s32 @p0 $0x11B8D, s5;
	s6 =	sshll.u32 @p0 s4, $0x11  }
0xaa: {  	s5 =	sor.u32 @p0 s6, s5  }
0xab: {  	[sflag:s5] =	ssyncadd.remote.s32 @p0 $0x1;
	_ =	sdelay $0x1  }
0xac: {  	s5 =	simm.s32 @p0 $0x1B8D  }
0xad: {  	_ =	swait.eq @p0 [sflag:s5], $0x1  }
0xae: {  	[sflag:s5] =	ssyncadd.s32 @p0 $0xFFFFFFFF  }
0xaf: {  	s6 =	sshll.u32 @!p0 s1, $0xE  }
0xb0: {  	s6 =	sor.u32 @!p0 $0x4000, s6;
	s5 =	simm.s32 @!p0 $0x1B8D  }
0xb1: {  	s4 =	sshll.u32 @!p0 s4, $0x11;
	s6 =	sadd.s32 @!p0 $0x11B8D, s6;
	_ =	swait.eq @!p0 [sflag:s5], $0x1  }
0xb2: {  	s4 =	sor.u32 @!p0 s4, s6;
	[sflag:s5] =	ssyncadd.s32 @!p0 $0xFFFFFFFF  }
0xb3: {  	s25 =	simm.s32 $0x1B8E;
	s24 =	sld [smem:$0x3FFE];
	[sflag:s4] =	ssyncadd.remote.s32 @!p0 $0x1  }
0xb4: {  	s26 =	simm.s32 $execute0_lowered;
	[smem:$0x3FD2] =	sst s25  }
0xb5: {  	s5 =	sshll.u32 s26, $0x1;
	_ =	strace $0x8000004C;
	[dreg:$0x1] =	wrdreg $0xFFFFFFFF  }
0xb6: {  	s28 =	simm.s32 $_size_execute0_lowered;
	s3 =	sadd.s32 s3, s5;
	[dreg:$0x0] =	wrdreg $0x0  }
0xb7: {  	s5 =	sshll.u32 s28, $0x1;
	[dreg:$0x2] =	wrdreg s3  }
0xb8: {  	[dreg:$0x3] =	wrdreg s5  }
0xb9: {  	[dreg:$0x4] =	wrdreg $0xC0  }
0xba: {  	_ =	task [dreg:s22], $0x5FFFF  }
0xbb: {  	[dreg:$0x1] =	wrdreg $0xFFFFFFFF  }
0xbc: {  	[dreg:$0x0] =	wrdreg $0x60  }
0xbd: {  	[dreg:$0x2] =	wrdreg s24  }
0xbe: {  	[dreg:$0x3] =	wrdreg $0xB7800  }
0xbf: {  	[dreg:$0x4] =	wrdreg $0xA  }
0xc0: {  	_ =	task.clear_ibuf [dreg:s22], $0x5FFFF;
	_ =	strace $0x9000004C  }
0xc1: {  	s29 =	simm.s32 $0xA;
	_ =	strace $0x8000004E  }
0xc2: {  	_ =	swait.ge [sflag:s29], $0x1  }
0xc3: {  	[sflag:s29] =	ssyncadd.s32 $0xFFFFFFFF  }
0xc4: {  	_ =	strace $0x9000004E  }
0xc5: {  	_ =	sfence  }
0xc6: {  	s30 =	sld [smem:$0x0];
	_ =	sdelay $0x2  }
0xc7: {  	s31 =	sshll.u32 s1, $0xD;
	s1 =	sshrl.u32 s1, $0x2  }
0xc8: {  	s4 =	sand.u32 $0x4000, s31;
	s1 =	sadd.s32 s1, s30  }
0xc9: {  	s0 =	sor.u32 s4, s0;
	s1 =	sshll.u32 s1, $0x11  }
0xca: {  	s0 =	sor.u32 s1, s0  }
0xcb: {  	s0 =	sadd.s32 $0x8F2B, s0  }
0xcc: {  	[sflag:s0] =	ssyncadd.remote.s32 $0x1  }
0xcd: {  	_ =	sfence.sel $0xFFFF  }
0xce: {  	[dreg:$0x0] =	wrdreg $0xFFFFFFFF;
	(pc) =	sbr.abs _section_cstart, $3  }
0xcf: {  	[dreg:$0x1] =	wrdreg $0xFFFFFFFF  }
0xd0: {  	_ =	task.clear_ibuf [dreg:s22], $0x2FFFF;
	_ =	strace $0x9FFFFFFF  }
0xd1: {  	(tm) =	ssettm $0x7FFFFFFF  }
tec
execute0_lowered:
.L_overlay_start_1:
0x0: {  	(tag) =	ssettag $0x1  }
0x1: {  	s0 =	srdreg.scid;
	s9 =	stileid.u32  }
0x2: {  	s5 =	rddreg [dreg:$0x0];
	s22 =	simm.s32 $0x3;
	s28 =	simm.s32 $0x1  }
0x3: {  	s29 =	simm.s32 $0x2;
	s31 =	simm.s32 $0x6580;
	s0 =	sand.u32 $0x1, s0  }
0x4: {  	s1 =	sshll.u32 s9, $0x1;
	s2 =	sshrl.u32 s9, $0x2;
	s8 =	smul.u32 $0x50000, s9  }
0x5: {  	s18 =	sadd.s32 $0x66E00, s5;
	s12 =	smul.u32 $0x14000, s9;
	s1 =	sor.u32 s0, s1  }
0x6: {  	s4 =	smul.u32 $0x13C00, s2;
	s2 =	rddreg [dreg:$0x1];
	s7 =	ssub.s32 $0x2, s0  }
0x7: {  	s0 =	smul.u32 $0x140000, s0;
	s3 =	sshll.u32 s1, $0x7;
	s1 =	sshll.u32 s1, $0xB  }
0x8: {  	s24 =	sshrl.u32 s7, $0x1;
	s25 =	sshrl.u32 s8, $0x2;
	s26 =	sadd.s32 $0x5000, s12  }
0x9: {  	s16 =	sadd.s32 $0xA000, s12;
	s17 =	sadd.s32 $0xF000, s12;
	s6 =	sand.u32 $0x380, s3  }
0xa: {  	s3 =	simm.s32 $0x0;
	s1 =	sadd.s32 s1, s5;
	s19 =	ssub.s32 s7, s24  }
0xb: {  	s7 =	sadd.s32 s25, s2;
	s9 =	sadd.s32 s26, s2;
	s11 =	sadd.s32 s16, s2  }
0xc: {  	s14 =	sadd.s32 s12, s0;
	s13 =	sadd.s32 s17, s2;
	s20 =	sadd.s32 s0, s16  }
0xd: {  	s24 =	simm.s32 $0x6780;
	s25 =	simm.s32 $0x50;
	s4 =	sor.u32 s4, s6  }
0xe: {  	[smem:$0x7FF] =	sst s3;
	s6 =	sadd.s32 $0x2200, s1;
	s8 =	sadd.s32 $0x2800, s7  }
0xf: {  	s10 =	sadd.s32 $0x7800, s7;
	s12 =	sadd.s32 $0xC800, s7;
	s15 =	sshrl.u32 s14, $0x3  }
0x10: {  	s14 =	sadd.s32 $0x11800, s7;
	s1 =	sadd.s32 s0, s26;
	s0 =	sadd.s32 s0, s17  }
0x11: {  	s30 =	sshrl.u32 s20, $0x3;
	s19 =	smax.u32 s19, $0x1;
	s26 =	simm.s32 $0x8F80  }
0x12: {  	s4 =	sshrl.u32 s4, $0x3;
	_ =	strace $0x8000004D;
	s15 =	sadd.s32 s18, s15  }
0x13: {  	s1 =	sshrl.u32 s1, $0x3;
	s0 =	sshrl.u32 s0, $0x3;
	s17 =	sadd.s32 s18, s30  }
0x14: {  	s23 =	sadd.s32 s4, s5;
	s4 =	sadd.s32 $0x2C000, s5;
	s16 =	sadd.s32 s18, s1  }
0x15: {  	v0 =	vimm.f32 $0.0e+00;
	s18 =	sadd.s32 s18, s0;
	s1 =	simm.s32 $0x0;
	s5 =	sadd.s32 $0x5D000, s23  }
.LBB2_1:
0x16: {  	s0 =	simm.s32 $0x80;
	s20 =	simm.s32 $0x400  }
0x17: {  	[tilespmem:s3], [sflag:$0x3] =	stream.strided.gather [hbm4b:s5+s0], $0x2780, s20, s0, $0x38;
	[tilespmem:$0x1F780] =	vst v63  }
0x18: {  	_ =	swait.ge [sflag:s22], $0x2780  }
0x19: {  	[sflag:s22] =	ssyncset.done $0x0  }
0x1a: {  	s30 =	simm.s32 $0x2780;
	[sflag:s22] =	ssyncadd.s32 $0xFFFFD880  }
0x1b: {  	[tilespmem:s30], [sflag:$0x3] =	stream.linear.gather [hbm4b:s6+s3], $0x3E80, $0x38;
	[tilespmem:$0x1F780] =	vst v63  }
0x1c: {  	_ =	swait.ge [sflag:s22], $0x3E80  }
0x1d: {  	[sflag:s22] =	ssyncset.done $0x0  }
0x1e: {  	s0 =	simm.s32 $0x0;
	s20 =	simm.s32 $0x200;
	[sflag:s22] =	ssyncadd.s32 $0xFFFFC180  }
.LBB2_2:
0x1f: {  	p0 =	sne.s32 s20, $0x9E00;
	[tilespmem:s0+$0x67F0] =	vst v0  }
0x20: {  	[tilespmem:s0+$0x6780] =	vst v0  }
0x21: {  	[tilespmem:s0+$0x6790] =	vst v0  }
.Ltmp0:
0x22: {  	[tilespmem:s0+$0x67A0] =	vst v0;
	(pc) =	sbr.rel @p0 .LBB2_2-.Ltmp0, $4  }
0x23: {  	[tilespmem:s0+$0x67B0] =	vst v0  }
0x24: {  	[tilespmem:s0+$0x67C0] =	vst v0  }
0x25: {  	[tilespmem:s0+$0x67D0] =	vst v0  }
0x26: {  	[tilespmem:s0+$0x67E0] =	vst v0;
	s0 =	sshra.s32 s20, $0x2;
	s20 =	sadd.s32 $0x200, s20  }
0x27: {  	[tilespmem:s0+$0x67F0] =	vst v0  }
0x28: {  	[tilespmem:s0+$0x6780] =	vst v0  }
0x29: {  	[tilespmem:s0+$0x6790] =	vst v0  }
0x2a: {  	[tilespmem:s0+$0x67A0] =	vst v0  }
0x2b: {  	[tilespmem:s0+$0x67B0] =	vst v0  }
0x2c: {  	[tilespmem:s0+$0x67C0] =	vst v0  }
0x2d: {  	[tilespmem:s0+$0x67D0] =	vst v0  }
0x2e: {  	[tilespmem:s0+$0x67E0] =	vst v0  }
0x2f: {  	[spmem:s7] =	stream.linear.scatter [tilespmem:s24], [sflag:$0x3], $0x2800, $0x38;
	[tilespmem:$0x1F780] =	vst v63  }
0x30: {  	_ =	swait.ge [sflag:s22], $0x2800  }
0x31: {  	[sflag:s22] =	ssyncset.done $0x0  }
0x32: {  	[sflag:s22] =	ssyncadd.s32 $0xFFFFD800  }
0x33: {  	[spmem:s8] =	stream.linear.scatter [tilespmem:s24], [sflag:$0x3], $0x2800, $0x38;
	[tilespmem:$0x1F780] =	vst v63  }
0x34: {  	_ =	swait.ge [sflag:s22], $0x2800  }
0x35: {  	[sflag:s22] =	ssyncset.done $0x0  }
0x36: {  	[sflag:s22] =	ssyncadd.s32 $0xFFFFD800  }
0x37: {  	[spmem:s9] =	stream.linear.scatter [tilespmem:s24], [sflag:$0x3], $0x2800, $0x38;
	[tilespmem:$0x1F780] =	vst v63  }
0x38: {  	_ =	swait.ge [sflag:s22], $0x2800  }
0x39: {  	[sflag:s22] =	ssyncset.done $0x0  }
0x3a: {  	[sflag:s22] =	ssyncadd.s32 $0xFFFFD800  }
0x3b: {  	[spmem:s10] =	stream.linear.scatter [tilespmem:s24], [sflag:$0x3], $0x2800, $0x38;
	[tilespmem:$0x1F780] =	vst v63  }
0x3c: {  	_ =	swait.ge [sflag:s22], $0x2800  }
0x3d: {  	[sflag:s22] =	ssyncset.done $0x0  }
0x3e: {  	[sflag:s22] =	ssyncadd.s32 $0xFFFFD800  }
0x3f: {  	[spmem:s11] =	stream.linear.scatter [tilespmem:s24], [sflag:$0x3], $0x2800, $0x38;
	[tilespmem:$0x1F780] =	vst v63  }
0x40: {  	_ =	swait.ge [sflag:s22], $0x2800  }
0x41: {  	[sflag:s22] =	ssyncset.done $0x0  }
0x42: {  	[sflag:s22] =	ssyncadd.s32 $0xFFFFD800  }
0x43: {  	[spmem:s12] =	stream.linear.scatter [tilespmem:s24], [sflag:$0x3], $0x2800, $0x38;
	[tilespmem:$0x1F780] =	vst v63  }
0x44: {  	_ =	swait.ge [sflag:s22], $0x2800  }
0x45: {  	[sflag:s22] =	ssyncset.done $0x0  }
0x46: {  	[sflag:s22] =	ssyncadd.s32 $0xFFFFD800  }
0x47: {  	[spmem:s13] =	stream.linear.scatter [tilespmem:s24], [sflag:$0x3], $0x2800, $0x38;
	[tilespmem:$0x1F780] =	vst v63  }
0x48: {  	_ =	swait.ge [sflag:s22], $0x2800  }
0x49: {  	[sflag:s22] =	ssyncset.done $0x0  }
0x4a: {  	[sflag:s22] =	ssyncadd.s32 $0xFFFFD800  }
0x4b: {  	[spmem:s14] =	stream.linear.scatter [tilespmem:s24], [sflag:$0x3], $0x2800, $0x38;
	[tilespmem:$0x1F780] =	vst v63  }
0x4c: {  	_ =	swait.ge [sflag:s22], $0x2800  }
0x4d: {  	[sflag:s22] =	ssyncset.done $0x0  }
0x4e: {  	[sflag:s22] =	ssyncadd.s32 $0xFFFFD800  }
0x4f: {  	s20 =	simm.s32 $0x0;
	[bflag:$0x0] =	sbarrier.arrive $0xFFFF  }
0x50: {  	[tilespmem:s24], [sflag:$0x1] =	stream.indirect.gather [hbm4b:s4+s25], $0x80, s20, s25, $0xb8;
	[tilespmem:$0x1F780] =	vst v63  }
0x51: {  	s21 =	simm.s32 $0x50  }
0x52: {  	[tilespmem:s26], [sflag:$0x2] =	stream.indirect.gather [hbm4b:s4+s25], $0x80, s21, s25, $0xb8;
	[tilespmem:$0x1F780] =	vst v63  }
0x53: {  	_ =	swait.ge [sflag:s28], $0x2800  }
0x54: {  	[sflag:s28] =	ssyncset.done $0x0  }
0x55: {  	s23 =	simm.s32 $0x2780;
	[sflag:s28] =	ssyncadd.s32 $0xFFFFD800  }
0x56: {  	[spmem:s2] =	stream.indirect.scatter.add.f32 [tilespmem:s24], [sflag:$0x3], $0x80, s23, s25, $0xb8;
	[tilespmem:$0x1F780] =	vst v63  }
0x57: {  	_ =	swait.ge [sflag:s22], $0x2800  }
0x58: {  	[sflag:s22] =	ssyncset.done $0x0  }
0x59: {  	[sflag:s22] =	ssyncadd.s32 $0xFFFFD800  }
0x5a: {  	_ =	swait.ge [sflag:s29], $0x2800  }
0x5b: {  	[sflag:s29] =	ssyncset.done $0x0  }
0x5c: {  	s30 =	simm.s32 $0x2800;
	[sflag:s29] =	ssyncadd.s32 $0xFFFFD800  }
0x5d: {  	[spmem:s2] =	stream.indirect.scatter.add.f32 [tilespmem:s26], [sflag:$0x3], $0x80, s30, s25, $0xb8;
	[tilespmem:$0x1F780] =	vst v63  }
0x5e: {  	s0 =	simm.s32 $0x2880;
	_ =	swait.ge [sflag:s22], $0x2800  }
0x5f: {  	s20 =	simm.s32 $0x280;
	s21 =	simm.s32 $0x500;
	[sflag:s22] =	ssyncset.done $0x0  }
.LBB2_4:
0x60: {  	s23 =	sshra.s32 s20, $0x2  }
0x61: {  	[sflag:s22] =	ssyncadd.s32 $0xFFFFD800;
	s20 =	smov.u32 s21;
	s30 =	sadd.s32 $0x280, s21  }
0x62: {  	[tilespmem:s24], [sflag:$0x1] =	stream.indirect.gather [hbm4b:s4+s25], $0x80, s23, s25, $0xb8;
	[tilespmem:$0x1F780] =	vst v63  }
0x63: {  	p0 =	sne.s32 s21, $0x9880;
	s21 =	sadd.s32 $0x50, s23  }
0x64: {  	[tilespmem:s26], [sflag:$0x2] =	stream.indirect.gather [hbm4b:s4+s25], $0x80, s21, s25, $0xb8;
	[tilespmem:$0x1F780] =	vst v63  }
0x65: {  	_ =	swait.ge [sflag:s28], $0x2800  }
0x66: {  	[sflag:s28] =	ssyncset.done $0x0  }
0x67: {  	[sflag:s28] =	ssyncadd.s32 $0xFFFFD800  }
0x68: {  	[spmem:s2] =	stream.indirect.scatter.add.f32 [tilespmem:s24], [sflag:$0x3], $0x80, s0, s25, $0xb8;
	[tilespmem:$0x1F780] =	vst v63  }
0x69: {  	_ =	swait.ge [sflag:s22], $0x2800  }
0x6a: {  	[sflag:s22] =	ssyncset.done $0x0  }
0x6b: {  	[sflag:s22] =	ssyncadd.s32 $0xFFFFD800  }
0x6c: {  	_ =	swait.ge [sflag:s29], $0x2800  }
.Ltmp1:
0x6d: {  	[sflag:s29] =	ssyncset.done $0x0;
	(pc) =	sbr.rel @p0 .LBB2_4-.Ltmp1, $4  }
0x6e: {  	s21 =	sadd.s32 $0x80, s0;
	[sflag:s29] =	ssyncadd.s32 $0xFFFFD800  }
0x6f: {  	[spmem:s2] =	stream.indirect.scatter.add.f32 [tilespmem:s26], [sflag:$0x3], $0x80, s21, s25, $0xb8;
	[tilespmem:$0x1F780] =	vst v63  }
0x70: {  	_ =	swait.ge [sflag:s22], $0x2800  }
0x71: {  	s0 =	sadd.s32 $0x100, s0;
	s21 =	smov.u32 s30;
	[sflag:s22] =	ssyncset.done $0x0  }
0x72: {  	s20 =	sshra.s32 s20, $0x2;
	[sflag:s22] =	ssyncadd.s32 $0xFFFFD800  }
0x73: {  	[tilespmem:s24], [sflag:$0x1] =	stream.indirect.gather [hbm4b:s4+s25], $0x80, s20, s25, $0xb8;
	[tilespmem:$0x1F780] =	vst v63  }
0x74: {  	s20 =	sadd.s32 $0x50, s20  }
0x75: {  	[tilespmem:s26], [sflag:$0x2] =	stream.indirect.gather [hbm4b:s4+s25], $0x80, s20, s25, $0xb8;
	[tilespmem:$0x1F780] =	vst v63  }
0x76: {  	_ =	swait.ge [sflag:s28], $0x2800  }
0x77: {  	[sflag:s28] =	ssyncset.done $0x0  }
0x78: {  	[sflag:s28] =	ssyncadd.s32 $0xFFFFD800  }
0x79: {  	[spmem:s2] =	stream.indirect.scatter.add.f32 [tilespmem:s24], [sflag:$0x3], $0x80, s0, s25, $0xb8;
	[tilespmem:$0x1F780] =	vst v63  }
0x7a: {  	_ =	swait.ge [sflag:s22], $0x2800  }
0x7b: {  	[sflag:s22] =	ssyncset.done $0x0  }
0x7c: {  	[sflag:s22] =	ssyncadd.s32 $0xFFFFD800  }
0x7d: {  	_ =	swait.ge [sflag:s29], $0x2800  }
0x7e: {  	[sflag:s29] =	ssyncset.done $0x0  }
0x7f: {  	s20 =	sadd.s32 $0x80, s0;
	[sflag:s29] =	ssyncadd.s32 $0xFFFFD800  }
0x80: {  	[spmem:s2] =	stream.indirect.scatter.add.f32 [tilespmem:s26], [sflag:$0x3], $0x80, s20, s25, $0xb8;
	[tilespmem:$0x1F780] =	vst v63  }
0x81: {  	_ =	swait.ge [sflag:s22], $0x2800  }
0x82: {  	[sflag:s22] =	ssyncset.done $0x0  }
0x83: {  	s21 =	simm.s32 $0x26C0;
	[sflag:s22] =	ssyncadd.s32 $0xFFFFD800  }
0x84: {  	[tilespmem:s24], [sflag:$0x1] =	stream.indirect.gather [hbm4b:s4+s25], $0x80, s21, s25, $0xb8;
	[tilespmem:$0x1F780] =	vst v63  }
0x85: {  	_ =	swait.ge [sflag:s28], $0x2800  }
0x86: {  	[sflag:s28] =	ssyncset.done $0x0  }
0x87: {  	[sflag:s28] =	ssyncadd.s32 $0xFFFFD800  }
0x88: {  	[spmem:s2] =	stream.indirect.scatter.add.f32 [tilespmem:s24], [sflag:$0x3], $0x80, s31, s25, $0xb8;
	[tilespmem:$0x1F780] =	vst v63  }
0x89: {  	_ =	swait.ge [sflag:s22], $0x2800  }
0x8a: {  	s23 =	stileid.u32;
	[sflag:s22] =	ssyncset.done $0x0  }
0x8b: {  	s0 =	sshll.u32 s23, $0x6;
	[sflag:s22] =	ssyncadd.s32 $0xFFFFD800  }
0x8c: {  	s30 =	sshrl.u32 s7, $0x3;
	s0 =	sor.u32 $0x1C03, s0;
	[bflag:$0x0] =	sbarrier.arrive $0xFFFF  }
0x8d: {  	[hbm:s15], [sflag:s0] =	dma.local [spmem:s30], $0xA00  }
0x8e: {  	_ =	swait.ge [sflag:s22], $0xA00  }
0x8f: {  	[sflag:s22] =	ssyncset.done $0x0  }
0x90: {  	s21 =	sshrl.u32 s9, $0x3;
	[sflag:s22] =	ssyncadd.s32 $0xFFFFF600  }
0x91: {  	[hbm:s16], [sflag:s0] =	dma.local [spmem:s21], $0xA00  }
0x92: {  	_ =	swait.ge [sflag:s22], $0xA00  }
0x93: {  	[sflag:s22] =	ssyncset.done $0x0  }
0x94: {  	s23 =	sshrl.u32 s11, $0x3;
	[sflag:s22] =	ssyncadd.s32 $0xFFFFF600  }
0x95: {  	[hbm:s17], [sflag:s0] =	dma.local [spmem:s23], $0xA00  }
0x96: {  	s1 =	sadd.s32 $0x1, s1;
	_ =	swait.ge [sflag:s22], $0xA00  }
0x97: {  	p0 =	sne.s32 s1, s19;
	[sflag:s22] =	ssyncset.done $0x0  }
.Ltmp2:
0x98: {  	s30 =	sshrl.u32 s13, $0x3;
	[sflag:s22] =	ssyncadd.s32 $0xFFFFF600;
	(pc) =	sbr.rel @p0 .LBB2_1-.Ltmp2, $4  }
0x99: {  	[hbm:s18], [sflag:s0] =	dma.local [spmem:s30], $0xA00  }
0x9a: {  	_ =	swait.ge [sflag:s22], $0xA00  }
0x9b: {  	[sflag:s22] =	ssyncset.done $0x0  }
0x9c: {  	[sflag:s22] =	ssyncadd.s32 $0xFFFFF600  }
0x9d: {  	_ =	sfence.sel $0x180000  }
0x9e: {  	[bflag:$0x0] =	sbarrier.arrive $0xFFFF  }
0x9f: {  	_ =	strace $0x9000004D  }
0xa0: {  	s0 =	stileid.u32;
	[bflag:$0x2] =	sbarrier.arrive $0xFFFF  }
0xa1: {  	p0 =	sne.s32 s0, $0x0;
	s0 =	rddreg [dreg:$0x2]  }
0xa2: {  	s0 =	sadd.s32 @!p0 $0x100000, s0  }
0xa3: {  	[sflag:s0] =	ssyncadd.tile.s32 @!p0 $0x1;
	_ =	shalt  }
.Lfunc_end2:
_tile_overlayer_lowered:
.L_overlay_start_2:
0xa4: {  	(tag) =	ssettag $0x2  }
0xa5: {  	s0 =	rddreg [dreg:$0x0];
	s2 =	stileid.u32  }
0xa6: {  	s1 =	rddreg [dreg:$0x1];
	p0 =	sne.s32 s2, $0x0  }
0xa7: {  	s3 =	rddreg [dreg:$0x2];
	[bflag:$0x3] =	sbarrier.arrive $0xFFFF;
	s2 =	simm.s32 @!p0 $0x1C03  }
0xa8: {  	[timem:s3], [sflag:s2] =	dma.local @!p0 [hbm:s0], s1  }
0xa9: {  	s0 =	simm.s32 @!p0 $0x3  }
0xaa: {  	_ =	swait.ge @!p0 [sflag:s0], s1  }
0xab: {  	s1 =	ssub.s32 @!p0 $0x0, s1;
	[sflag:s0] =	ssyncset.done @!p0 $0x0  }
0xac: {  	[sflag:s0] =	ssyncadd.s32 @!p0 s1  }
0xad: {  	[bflag:$0x3] =	sbarrier.arrive $0xFFFF  }
0xae: {  	_ =	shalt  }

// kernel: kernel.7.cloned.1.call-start
scs
__scs_entry_jumppad:
0x0: {  	(pc) =	sbr.rel $0x88, $3  }
0x1: {  	(tag) =	ssettag $0x0;
	lr =	simm.s32 $0x1  }
0x2: {  	[smem:$0x3F98] =	sst lr;
	_ =	strace $0xD0000000  }
0x3: {  	_ = 	snop  }
0x4: {  	_ = 	snop  }
0x5: {  	_ = 	snop  }
0x6: {  	_ = 	snop  }
0x7: {  	_ = 	snop  }
__scs_overlays_trampoline_lowered:
0x8: {  	[smem:$0x3FA7] =	sst s0  }
0x9: {  	[smem:$0x3FA8] =	sst s1  }
0xa: {  	[smem:$0x3FA9] =	sst s2  }
0xb: {  	[smem:$0x3FAA] =	sst s3  }
0xc: {  	[smem:$0x3FAB] =	sst s4  }
0xd: {  	[smem:$0x3FAC] =	sst s5  }
0xe: {  	[smem:$0x3FAD] =	sst s6  }
0xf: {  	[smem:$0x3FAE] =	sst s7  }
0x10: {  	[smem:$0x3FAF] =	sst s8  }
0x11: {  	[smem:$0x3FB0] =	sst s9;
	s0 =	simm.s32 @!p0 $0x0  }
0x12: {  	s1 =	sld [smem:$0x3F96];
	s0 =	simm.s32 @p0 $0x1  }
0x13: {  	[smem:$0x3FB1] =	sst s0;
	s0 =	simm.s32 @!p1 $0x0  }
0x14: {  	s2 =	sld [smem:$0x3F95];
	s0 =	simm.s32 @p1 $0x1  }
0x15: {  	[smem:$0x3FB2] =	sst s0;
	s0 =	simm.s32 @!p2 $0x0  }
0x16: {  	s3 =	sld [smem:$0x3FDB];
	s0 =	simm.s32 @p2 $0x1  }
0x17: {  	s4 =	simm.s32 $0x1BF5;
	[smem:$0x3FB4] =	sst s0  }
0x18: {  	s0 =	sld [smem:$0x3F97];
	_ =	swait.ge [sflag:s4], $0x0  }
0x19: {  	s7 =	sld [smem:$0x3F98]  }
0x1a: {  	s8 =	sadd.s32 $0xFFFFE003, lr  }
0x1b: {  	s9 =	sadd.s32 $0xFFFFFEF7, lr;
	s5 =	simm.s32 $0xFFFFFFFF;
	p2 =	slt.u32 s8, $0xFFFFF086  }
0x1c: {  	p1 =	slt.u32 s9, $0xF7A;
	s5 =	simm.s32 @!p2 $0x0  }
0x1d: {  	s5 =	simm.s32 @p1 $0x1;
	p0 =	seq.s32 s7, s2  }
0x1e: {  	s7 =	smul.u32 @!p0 $0xF7A, s2;
	p2 =	seq.s32 @!p0 s5, $0x0  }
0x1f: {  	s9 =	smul.u32 $0xF7A, s1;
	s8 =	simm.s32 @!p0 $0x1BF5;
	p2 =	por !p2, p0  }
0x20: {  	[sflag:s8] =	ssyncset.s32 @!p0 $0xFFFFF086;
	s6 =	sadd.s32 @!p0 s3, s7;
	s7 =	simm.s32 @!p0 $0x108  }
0x21: {  	s3 =	sadd.s32 s3, s9;
	s6 =	sadd.s32 @!p0 $0x88, s6;
	s7 =	simm.s32 @p2 $0x1082  }
0x22: {  	[simem:s7], [sflag:s8] =	dma.local @!p0 [hbm:s6], $0xF7A  }
0x23: {  	s9 =	sor.u32 $0xD0000000, s2;
	s6 =	simm.s32 $0x108;
	_ =	swait.ge @!p0 [sflag:s8], $0x0  }
0x24: {  	s3 =	sadd.s32 $0x88, s3;
	s6 =	simm.s32 @!p1 $0x1082;
	[sflag:s4] =	ssyncset.s32 $0xFFFFF086  }
0x25: {  	[simem:s6], [sflag:s4] =	dma.local [hbm:s3], $0xF7A  }
0x26: {  	[smem:$0x3F98] =	sst s1;
	(tag) =	ssettag s2;
	_ =	strace s9  }
0x27: {  	s1 =	sld [smem:$0x3FA8]  }
0x28: {  	s2 =	sld [smem:$0x3FA9]  }
0x29: {  	s4 =	sld [smem:$0x3FAB]  }
0x2a: {  	p0 =	seq.s32 s5, $0x0;
	s5 =	sld [smem:$0x3FAC]  }
0x2b: {  	s6 =	sld [smem:$0x3FAD]  }
0x2c: {  	s7 =	sld [smem:$0x3FAE]  }
0x2d: {  	s3 =	simm.s32 $0x108;
	s8 =	sld [smem:$0x3FAF]  }
0x2e: {  	s3 =	simm.s32 @!p0 $0x1082;
	s9 =	sld [smem:$0x3FB0]  }
0x2f: {  	lr =	sadd.s32 s0, s3;
	s0 =	sld [smem:$0x3FA7]  }
0x30: {  	s3 =	sld [smem:$0x3FAA]  }
0x31: {  	[smem:$0x3FB3] =	sst s10  }
0x32: {  	s10 =	sld [smem:$0x3FB1];
	_ =	sdelay $0x3  }
0x33: {  	p0 =	seq.s32 s10, $0x1;
	s10 =	sld [smem:$0x3FB3];
	_ =	sdelay $0x3  }
0x34: {  	[smem:$0x3FB3] =	sst s10  }
0x35: {  	s10 =	sld [smem:$0x3FB2];
	_ =	sdelay $0x3  }
0x36: {  	p1 =	seq.s32 s10, $0x1;
	s10 =	sld [smem:$0x3FB3];
	_ =	sdelay $0x3  }
0x37: {  	[smem:$0x3FB3] =	sst s10  }
0x38: {  	s10 =	sld [smem:$0x3FB4]  }
0x39: {  	_ = 	snop;
	(pc) =	sbr.ind lr, $3  }
0x3a: {  	_ = 	snop  }
0x3b: {  	_ = 	snop  }
0x3c: {  	p2 =	seq.s32 s10, $0x1;
	s10 =	sld [smem:$0x3FB3]  }
0x3d: {  	_ =	shalt  }
0x3e: {  	_ =	shalt  }
0x3f: {  	_ =	shalt  }
0x40: {  	_ =	shalt  }
0x41: {  	_ =	shalt  }
0x42: {  	_ =	shalt  }
0x43: {  	_ =	shalt  }
0x44: {  	_ =	shalt  }
0x45: {  	_ =	shalt  }
0x46: {  	_ =	shalt  }
0x47: {  	_ =	shalt  }
0x48: {  	_ =	shalt  }
0x49: {  	_ =	shalt  }
0x4a: {  	_ =	shalt  }
0x4b: {  	_ =	shalt  }
0x4c: {  	_ =	shalt  }
0x4d: {  	_ =	shalt  }
0x4e: {  	_ =	shalt  }
0x4f: {  	_ =	shalt  }
0x50: {  	_ =	shalt  }
0x51: {  	_ =	shalt  }
0x52: {  	_ =	shalt  }
0x53: {  	_ =	shalt  }
0x54: {  	_ =	shalt  }
0x55: {  	_ =	shalt  }
0x56: {  	_ =	shalt  }
0x57: {  	_ =	shalt  }
0x58: {  	_ =	shalt  }
0x59: {  	_ =	shalt  }
0x5a: {  	_ =	shalt  }
0x5b: {  	_ =	shalt  }
0x5c: {  	_ =	shalt  }
0x5d: {  	_ =	shalt  }
0x5e: {  	_ =	shalt  }
0x5f: {  	_ =	shalt  }
0x60: {  	_ =	shalt  }
0x61: {  	_ =	shalt  }
0x62: {  	_ =	shalt  }
0x63: {  	_ =	shalt  }
0x64: {  	_ =	shalt  }
0x65: {  	_ =	shalt  }
0x66: {  	_ =	shalt  }
0x67: {  	_ =	shalt  }
0x68: {  	_ =	shalt  }
0x69: {  	_ =	shalt  }
0x6a: {  	_ =	shalt  }
0x6b: {  	_ =	shalt  }
0x6c: {  	_ =	shalt  }
0x6d: {  	_ =	shalt  }
0x6e: {  	_ =	shalt  }
0x6f: {  	_ =	shalt  }
0x70: {  	_ =	shalt  }
0x71: {  	_ =	shalt  }
0x72: {  	_ =	shalt  }
0x73: {  	_ =	shalt  }
0x74: {  	_ =	shalt  }
0x75: {  	_ =	shalt  }
0x76: {  	_ =	shalt  }
0x77: {  	_ =	shalt  }
0x78: {  	_ =	shalt  }
0x79: {  	_ =	shalt  }
0x7a: {  	_ =	shalt  }
0x7b: {  	_ =	shalt  }
0x7c: {  	_ =	shalt  }
0x7d: {  	_ =	shalt  }
0x7e: {  	_ =	shalt  }
0x7f: {  	_ =	shalt  }
0x80: {  	_ =	shalt  }
0x81: {  	_ =	shalt  }
0x82: {  	_ =	shalt  }
0x83: {  	_ =	shalt  }
0x84: {  	_ =	shalt  }
0x85: {  	_ =	shalt  }
0x86: {  	_ =	shalt  }
0x87: {  	_ =	shalt  }
.Lfunc_end0:
.L_simem_size_0:
called_computation_lowered:
.L_overlay_start_0:
0x88: {  	s2 =	sld [smem:$0x3FD9]  }
0x89: {  	s3 =	sld [smem:$0x3FFE];
	_ =	sdelay $0x1  }
0x8a: {  	s1 =	srdreg.scid  }
0x8b: {  	s0 =	sand.u32 $0x1, s1  }
0x8c: {  	s16 =	sshll.u32 s0, $0xA;
	s2 =	sadd.s32 s3, s2  }
0x8d: {  	s2 =	sadd.s32 s2, s16  }
0x8e: {  	[smem:$0x3FBF] =	sst s2  }
0x8f: {  	_ = 	snop  }
0x90: {  	(tm) =	ssettm $0x1  }
0x91: {  	s17 =	sld [smem:$0x3FFB];
	_ =	sdelay $0x3  }
0x92: {  	_ =	strace s17  }
0x93: {  	s2 =	sld [smem:$0x3FFC];
	_ =	sdelay $0x3  }
0x94: {  	_ =	strace s2  }
0x95: {  	s2 =	sld [smem:$0x3FFD];
	_ =	sdelay $0x3  }
0x96: {  	_ =	strace s2  }
0x97: {  	_ =	strace $0x8FFFFFFF  }
0x98: {  	s18 =	sld [smem:$0x3FDB];
	_ =	sdelay $0x1  }
0x99: {  	s19 =	simm.s32 $_scs_section_size  }
0x9a: {  	s4 =	simm.s32 $_size__tile_overlayer_lowered;
	s5 =	simm.s32 $_tile_overlayer_lowered  }
0x9b: {  	s22 =	simm.s32 $0x1BFF;
	s21 =	sshll.u32 s5, $0x1;
	s2 =	sadd.s32 s19, s18  }
0x9c: {  	s6 =	simm.s32 $0x0;
	s20 =	sshll.u32 s4, $0x1;
	s4 =	sadd.s32 s21, s2  }
0x9d: {  	[timem:s6], [sflag:s22] =	dma.local [hbm:s4], s20  }
0x9e: {  	_ =	swait.ge [sflag:s22], s20  }
0x9f: {  	s3 =	ssub.s32 $0x0, s20;
	[sflag:s22] =	ssyncset.done $0x0  }
0xa0: {  	[sflag:s22] =	ssyncadd.s32 s3;
	_ =	sdelay $0x1  }
0xa1: {  	s23 =	simm.s32 $0x1B8B  }
0xa2: {  	_ =	swait.ge [sflag:s23], $0x1  }
0xa3: {  	[sflag:s23] =	ssyncset.done $0x0  }
0xa4: {  	s25 =	simm.s32 $0x1B8E;
	s24 =	sld [smem:$0x3FFE];
	[sflag:s23] =	ssyncadd.s32 $0xFFFFFFFF  }
0xa5: {  	s26 =	simm.s32 $execute0_lowered;
	[smem:$0x3FD2] =	sst s25  }
0xa6: {  	s4 =	sshll.u32 s26, $0x1;
	_ =	strace $0x80000046;
	[dreg:$0x1] =	wrdreg $0xFFFFFFFF  }
0xa7: {  	s28 =	simm.s32 $_size_execute0_lowered;
	s2 =	sadd.s32 s2, s4;
	[dreg:$0x0] =	wrdreg $0x0  }
0xa8: {  	s4 =	sshll.u32 s28, $0x1;
	[dreg:$0x2] =	wrdreg s2  }
0xa9: {  	[dreg:$0x3] =	wrdreg s4  }
0xaa: {  	[dreg:$0x4] =	wrdreg $0xC0  }
0xab: {  	_ =	task [dreg:s6], $0x5FFFF  }
0xac: {  	[dreg:$0x1] =	wrdreg $0xFFFFFFFF  }
0xad: {  	[dreg:$0x0] =	wrdreg $0x60  }
0xae: {  	[dreg:$0x2] =	wrdreg s24  }
0xaf: {  	[dreg:$0x3] =	wrdreg $0x9  }
0xb0: {  	_ =	task.clear_ibuf [dreg:s6], $0x4FFFF;
	_ =	strace $0x90000046  }
0xb1: {  	s29 =	simm.s32 $0x9;
	_ =	strace $0x80000048  }
0xb2: {  	_ =	swait.ge [sflag:s29], $0x1  }
0xb3: {  	[sflag:s29] =	ssyncadd.s32 $0xFFFFFFFF  }
0xb4: {  	_ =	strace $0x90000048  }
0xb5: {  	_ =	sfence  }
0xb6: {  	s30 =	sld [smem:$0x0];
	_ =	sdelay $0x2  }
0xb7: {  	s31 =	sshll.u32 s1, $0xD;
	s1 =	sshrl.u32 s1, $0x2  }
0xb8: {  	s3 =	sand.u32 $0x4000, s31;
	s1 =	sadd.s32 s1, s30  }
0xb9: {  	s0 =	sor.u32 s3, s0;
	s1 =	sshll.u32 s1, $0x11  }
0xba: {  	s0 =	sor.u32 s1, s0  }
0xbb: {  	s0 =	sadd.s32 $0x8F2B, s0  }
0xbc: {  	[sflag:s0] =	ssyncadd.remote.s32 $0x1  }
0xbd: {  	_ =	sfence.sel $0xFFFF  }
0xbe: {  	[dreg:$0x0] =	wrdreg $0xFFFFFFFF;
	(pc) =	sbr.abs _section_cstart, $3  }
0xbf: {  	[dreg:$0x1] =	wrdreg $0xFFFFFFFF  }
0xc0: {  	_ =	task.clear_ibuf [dreg:s6], $0x2FFFF;
	_ =	strace $0x9FFFFFFF  }
0xc1: {  	(tm) =	ssettm $0x7FFFFFFF  }
tec
execute0_lowered:
.L_overlay_start_1:
0x0: {  	(tag) =	ssettag $0x1  }
0x1: {  	s1 =	srdreg.scid;
	s0 =	stileid.u32  }
0x2: {  	s3 =	rddreg [dreg:$0x0];
	s2 =	simm.s32 $0x0;
	s8 =	simm.s32 $0x0  }
0x3: {  	s4 =	sand.u32 $0x1, s1;
	s5 =	sshll.u32 s0, $0x1;
	s1 =	rddreg [dreg:$0x1]  }
0x4: {  	[smem:$0x7FF] =	sst s2;
	s5 =	sor.u32 s4, s5;
	s4 =	ssub.s32 $0x2, s4  }
0x5: {  	s6 =	smul.u32 $0x4F0, s5;
	s5 =	sshll.u32 s5, $0xB;
	s7 =	sshrl.u32 s4, $0x1  }
0x6: {  	_ =	strace $0x80000047;
	s5 =	sadd.s32 s5, s3;
	s7 =	ssub.s32 s4, s7  }
0x7: {  	s6 =	sadd.s32 s6, s3;
	s3 =	sadd.s32 $0x2200, s5;
	s5 =	smax.u32 s7, $0x1  }
0x8: {  	v0 =	vimm.f32 $0.0e+00;
	v1 =	vimm.f32 $1.000000000e+00;
	s7 =	simm.s32 $0x4000;
	s4 =	sadd.s32 $0x12200, s6;
	s6 =	simm.s32 $0x1  }
.LBB2_1:
0x9: {  	[tilespmem:s2], [sflag:$0x1] =	stream.linear.gather [hbm4b:s3+s2], $0x3E80, $0x38;
	[tilespmem:$0x6780] =	vst v63  }
0xa: {  	_ =	swait.ge [sflag:s6], $0x3E80  }
0xb: {  	[sflag:s6] =	ssyncset.done $0x0  }
0xc: {  	s9 =	simm.s32 $0x0;
	[sflag:s6] =	ssyncadd.s32 $0xFFFFC180  }
.LBB2_2:
0xd: {  	p0 =	sne.s32 s9, $0x9C00  }
.Ltmp0:
0xe: {  	_ = 	snop;
	(pc) =	sbr.rel @p0 .LBB2_2-.Ltmp0, $3  }
0xf: {  	_ =	sdelay $0x1  }
0x10: {  	s10 =	sshra.s32 s9, $0x2  }
0x11: {  	s9 =	sadd.s32 $0x40, s9;
	[tilespmem:s10+$0x4000] =	vst v0  }
0x12: {  	s9 =	simm.s32 $0x0  }
.LBB2_4:
0x13: {  	s10 =	sshra.s32 s9, $0x2  }
0x14: {  	v2 =	vld [tilespmem:s10+$0x0];
	_ =	sdelay $0x7  }
0x15: {  	[tilespmem:v2+s7+$0x0] =	vst.idx.add.f32.msk $0xffff, v1  }
0x16: {  	v2 =	vld [tilespmem:s10+$0x10];
	_ =	sdelay $0x7  }
0x17: {  	[tilespmem:v2+s7+$0x0] =	vst.idx.add.f32.msk $0xffff, v1  }
0x18: {  	v2 =	vld [tilespmem:s10+$0x20];
	_ =	sdelay $0x7  }
0x19: {  	[tilespmem:v2+s7+$0x0] =	vst.idx.add.f32.msk $0xffff, v1  }
0x1a: {  	v2 =	vld [tilespmem:s10+$0x30];
	_ =	sdelay $0x7  }
0x1b: {  	[tilespmem:v2+s7+$0x0] =	vst.idx.add.f32.msk $0xffff, v1  }
0x1c: {  	v2 =	vld [tilespmem:s10+$0x40];
	_ =	sdelay $0x2  }
0x1d: {  	p0 =	sne.s32 s9, $0xF800  }
.Ltmp1:
0x1e: {  	_ = 	snop;
	(pc) =	sbr.rel @p0 .LBB2_4-.Ltmp1, $2  }
0x1f: {  	_ =	sdelay $0x2  }
0x20: {  	s9 =	sadd.s32 $0x200, s9;
	[tilespmem:v2+s7+$0x0] =	vst.idx.add.f32.msk $0xffff, v1  }
0x21: {  	s8 =	sadd.s32 $0x1, s8  }
0x22: {  	p0 =	sne.s32 s8, s5  }
.Ltmp2:
0x23: {  	_ = 	snop;
	(pc) =	sbr.rel @p0 .LBB2_1-.Ltmp2, $4  }
0x24: {  	[hbm4b:s4+s2] =	stream.linear.scatter [tilespmem:s7], [sflag:$0x1], $0x2780, $0x38;
	[tilespmem:$0x6780] =	vst v63  }
0x25: {  	_ =	swait.ge [sflag:s6], $0x2780  }
0x26: {  	[sflag:s6] =	ssyncset.done $0x0  }
0x27: {  	[sflag:s6] =	ssyncadd.s32 $0xFFFFD880  }
0x28: {  	_ =	sfence.sel $0x180000  }
0x29: {  	[bflag:$0x0] =	sbarrier.arrive $0xFFFF  }
0x2a: {  	p0 =	sne.s32 s0, $0x0;
	_ =	strace $0x90000047  }
0x2b: {  	s0 =	sadd.s32 @!p0 $0x100000, s1;
	[bflag:$0x2] =	sbarrier.arrive $0xFFFF  }
0x2c: {  	[sflag:s0] =	ssyncadd.tile.s32 @!p0 $0x1;
	_ =	shalt  }
.Lfunc_end2:
_tile_overlayer_lowered:
.L_overlay_start_2:
0x2d: {  	(tag) =	ssettag $0x2  }
0x2e: {  	s0 =	rddreg [dreg:$0x0];
	s2 =	stileid.u32  }
0x2f: {  	s1 =	rddreg [dreg:$0x1];
	p0 =	sne.s32 s2, $0x0  }
0x30: {  	s3 =	rddreg [dreg:$0x2];
	[bflag:$0x3] =	sbarrier.arrive $0xFFFF;
	s2 =	simm.s32 @!p0 $0x1C01  }
0x31: {  	[timem:s3], [sflag:s2] =	dma.local @!p0 [hbm:s0], s1  }
0x32: {  	s0 =	simm.s32 @!p0 $0x1  }
0x33: {  	_ =	swait.ge @!p0 [sflag:s0], s1  }
0x34: {  	s1 =	ssub.s32 @!p0 $0x0, s1;
	[sflag:s0] =	ssyncset.done @!p0 $0x0  }
0x35: {  	[sflag:s0] =	ssyncadd.s32 @!p0 s1  }
0x36: {  	[bflag:$0x3] =	sbarrier.arrive $0xFFFF  }
0x37: {  	_ =	shalt  }

</sc_bundles>
